<compile_context>
chip_gen: v7x
topology: tpu7x:2x2x1
jax: 0.10.2.dev20260603
libtpu: 0.0.44.dev20260713+nightly
codegen_flags: <defaults>
</compile_context>

<pallas_src>
import functools

import jax
import jax.numpy as jnp
from jax import lax
from jax.experimental import pallas as pl
from jax.experimental.pallas import tpu as pltpu
from jax.experimental.pallas import tpu_sc as plsc

_NC, _NS, _L = 2, 16, 16
_NW = _NC * _NS
_B = 128


def _zero_vmem(ref, n):
    zeros = jnp.zeros((_L,), jnp.float32)

    @plsc.parallel_loop(0, n, step=_L, unroll=8)
    def _(i):
        ref[pl.ds(i, _L)] = zeros


def _rsqrt_newton(d):
    half = 0.5 * d
    yi = jnp.full((_L,), 0x5F3759DF, jnp.int32) - lax.shift_right_logical(
        plsc.bitcast(d, jnp.int32), jnp.full((_L,), 1, jnp.int32))
    y = plsc.bitcast(yi, jnp.float32)
    for _ in range(3):
        y = y * (1.5 - half * y * y)
    return y


@functools.cache
def _build(n, e):
    n_pad = ((n + (_L * _NS) - 1) // (_L * _NS)) * (_L * _NS)
    cols = n_pad // _NS
    nblk = e // _B
    bpt1 = nblk // _NS
    rem1 = nblk - bpt1 * _NS
    w1 = bpt1 * _B
    half = w1 // 2
    mesh = plsc.VectorSubcoreMesh(core_axis_name="c", subcore_axis_name="s",
                                  num_cores=_NC, num_subcores=_NS)
    sc_params = pltpu.CompilerParams(needs_layout_passes=False)
    nch = 4
    csz = w1 // nch

    @functools.partial(
        pl.kernel, mesh=mesh,
        out_type=(jax.ShapeDtypeStruct((_NW, n_pad), jnp.float32),
                  jax.ShapeDtypeStruct((n_pad,), jnp.float32),
                  jax.ShapeDtypeStruct((n_pad,), jnp.float32)),
        scratch_types=[pltpu.VMEM((2, w1 + _B), jnp.int32),
                       pltpu.VMEM((n_pad,), jnp.float32),
                       pltpu.VMEM((n_pad,), jnp.float32),
                       pltpu.VMEM((_NS, cols), jnp.float32),
                       pltpu.VMEM((cols,), jnp.float32),
                       pltpu.VMEM((cols,), jnp.float32),
                       pltpu.VMEM_SHARED((_NS, n_pad), jnp.float32),
                       pltpu.VMEM_SHARED((n_pad,), jnp.float32),
                       pltpu.SemaphoreType.DMA,
                       pltpu.SemaphoreType.DMA,
                       pltpu.SemaphoreType.DMA,
                       pltpu.SemaphoreType.DMA],
        compiler_params=sc_params,
    )
    def sc_call(ei_hbm, tpart_hbm, dis_hbm, inv_hbm,
                eb_v, hist_v, dis_v, blk_v, diss_v, invs_v,
                hist_sh, dis_sh, sem_a, sem_b, sem_c, sem_d):
        cid = lax.axis_index("c")
        sid = lax.axis_index("s")
        wid = sid * _NC + cid
        ones = jnp.ones((_L,), jnp.float32)
        sems = [sem_a, sem_b, sem_c, sem_d]

        def chunk_copy(k, sem):
            return pltpu.async_copy(
                ei_hbm.at[:, pl.ds(sid * w1 + k * csz, csz)],
                eb_v.at[:, pl.ds(k * csz, csz)], sem)

        cps = [chunk_copy(0, sems[0])]
        _zero_vmem(hist_v, n_pad)

        @pl.when(sid < rem1)
        def _():
            pltpu.sync_copy(ei_hbm.at[:, pl.ds((_NS * bpt1 + sid) * _B, _B)],
                            eb_v.at[:, pl.ds(w1, _B)])

        for k in range(nch):
            if k + 1 < nch:
                cps.append(chunk_copy(k + 1, sems[(k + 1) % len(sems)]))
            cps[k].wait()

            @plsc.parallel_loop(k * csz, (k + 1) * csz, step=_L, unroll=8)
            def _(i):
                plsc.addupdate_scatter(hist_v, [eb_v[1, pl.ds(i, _L)]], ones)

        @pl.when(sid < rem1)
        def _():
            @plsc.parallel_loop(0, _B, step=_L)
            def _(i):
                plsc.addupdate_scatter(hist_v, [eb_v[1, pl.ds(w1 + i, _L)]], ones)

        pltpu.sync_copy(hist_v, hist_sh.at[sid])
        plsc.subcore_barrier()

        pltpu.sync_copy(hist_sh.at[:, pl.ds(sid * cols, cols)], blk_v)

        @plsc.parallel_loop(0, cols, step=_L, unroll=2)
        def _(j):
            acc = blk_v[0, pl.ds(j, _L)]
            for r in range(1, _NS):
                acc = acc + blk_v[r, pl.ds(j, _L)]
            d = acc + 1.0
            y = _rsqrt_newton(d)
            diss_v[pl.ds(j, _L)] = y
            invs_v[pl.ds(j, _L)] = 1.0 / d

        pltpu.sync_copy(diss_v, dis_sh.at[pl.ds(sid * cols, cols)])

        @pl.when(cid == 0)
        def _():
            pltpu.sync_copy(diss_v, dis_hbm.at[pl.ds(sid * cols, cols)])
            pltpu.sync_copy(invs_v, inv_hbm.at[pl.ds(sid * cols, cols)])

        plsc.subcore_barrier()

        dis_cp = pltpu.async_copy(dis_sh, dis_v, sem_a)
        _zero_vmem(hist_v, n_pad)
        dis_cp.wait()
        base3 = cid * half

        @plsc.parallel_loop(0, half, step=_L, unroll=8)
        def _(i):
            w = plsc.load_gather(dis_v, [eb_v[1, pl.ds(base3 + i, _L)]])
            plsc.addupdate_scatter(hist_v, [eb_v[0, pl.ds(base3 + i, _L)]], w)

        @pl.when((sid < rem1) & (cid == sid % _NC))
        def _():
            @plsc.parallel_loop(0, _B, step=_L)
            def _(i):
                w = plsc.load_gather(dis_v, [eb_v[1, pl.ds(w1 + i, _L)]])
                plsc.addupdate_scatter(hist_v, [eb_v[0, pl.ds(w1 + i, _L)]], w)

        pltpu.sync_copy(hist_v, tpart_hbm.at[wid])

    def final_body(tpart_ref, dis_ref, inv_ref, x_ref, w_ref, b_ref, out_ref):
        t = jnp.sum(tpart_ref[...], axis=0)
        u = (dis_ref[...] * t + inv_ref[...])[:n].reshape(1, n)
        v = jnp.dot(u, x_ref[...], preferred_element_type=jnp.float32)
        out_ref[...] = (
            jnp.dot(v * (1.0 / n), w_ref[...], preferred_element_type=jnp.float32)
            + b_ref[...]
        )

    def final_call(tpart, dis, inv, x, w, b2):
        return pl.pallas_call(
            final_body,
            out_shape=jax.ShapeDtypeStruct((1, w.shape[1]), jnp.float32),
        )(tpart, dis, inv, x, w, b2)

    return sc_call, final_call


def kernel(x, edge_index, W, b):
    n = x.shape[0]
    e = edge_index.shape[1]
    sc_call, final_call = _build(n, e)
    tpart, dis, inv = sc_call(edge_index.astype(jnp.int32))
    return final_call(tpart, dis, inv, x, W, b.reshape(1, -1))

# --- scband reference (transcript-rebuilt; emitter-appended) ---
"""Pipeline reference for scband-sgconv-wrapper-75900662055245 (READ-ONLY COPY).

The authoritative reference and input builder live on the scoring server;
editing this copy changes nothing except your own understanding.
"""

import jax, jax.numpy as jnp
import numpy as np

N_NODES = 10000
N_EDGES = 320000
IN_DIM = 128
OUT_DIM = 256

def setup_inputs(seed: int = 0) -> dict:
    key = jax.random.key(seed)
    k1, k2, k3, k4 = jax.random.split(key, 4)
    x = jax.random.normal(k1, (N_NODES, IN_DIM), dtype=jnp.float32)
    edge_index = jax.random.randint(k2, (2, N_EDGES), 0, N_NODES, dtype=jnp.int64)
    # SGConv linear layer params (Glorot init like PyG Linear)
    limit = float(np.sqrt(6.0 / (IN_DIM + OUT_DIM)))
    W = jax.random.uniform(k3, (IN_DIM, OUT_DIM), minval=-limit, maxval=limit, dtype=jnp.float32)
    b = jnp.zeros((OUT_DIM,), dtype=jnp.float32)
    return {"x": x, "edge_index": edge_index, "W": W, "b": b}

def reference(x, edge_index, W, b):
    # SGConv with K=1: out = D^{-1/2} (A + I) D^{-1/2} x W + b, then mean over nodes.
    N = x.shape[0]
    src = edge_index[0]
    dst = edge_index[1]
    # add self loops (gcn_norm default in SGConv)
    loop = jnp.arange(N, dtype=edge_index.dtype)
    src = jnp.concatenate([src, loop])
    dst = jnp.concatenate([dst, loop])
    ew = jnp.ones(src.shape[0], dtype=x.dtype)
    # degree computed at target nodes
    deg = jnp.zeros((N,), dtype=x.dtype).at[dst].add(ew)
    deg_inv_sqrt = jnp.where(deg > 0, 1.0 / jnp.sqrt(deg), 0.0)
    norm = deg_inv_sqrt[src] * ew * deg_inv_sqrt[dst]
    # message passing: gather from src, scatter-add to dst
    msg = x[src] * norm[:, None]
    agg = jnp.zeros_like(x).at[dst].add(msg)
    out = agg @ W + b
    out = jnp.mean(out, axis=0, keepdims=True)
    return out

if __name__ == "__main__":
    import jax
    _d = setup_inputs()
    print(jax.jit(kernel)(*tuple(_d.values())))

</pallas_src>

<mosaic_0001>
#map = affine_map<(d0, d1) -> (0, 0)>
#map1 = affine_map<(d0, d1) -> (0)>
module attributes {stable_mosaic.version = 14 : i64} {
  func.func @sc_call(%arg0: i32, %arg1: i32, %arg2: memref<2x320000xi32, #tpu.memory_space<hbm>>, %arg3: memref<32x10240xf32, #tpu.memory_space<hbm>>, %arg4: memref<10240xf32, #tpu.memory_space<hbm>>, %arg5: memref<10240xf32, #tpu.memory_space<hbm>>, %arg6: memref<2x20096xi32, #tpu.memory_space<vmem>>, %arg7: memref<10240xf32, #tpu.memory_space<vmem>>, %arg8: memref<10240xf32, #tpu.memory_space<vmem>>, %arg9: memref<16x640xf32, #tpu.memory_space<vmem>>, %arg10: memref<640xf32, #tpu.memory_space<vmem>>, %arg11: memref<640xf32, #tpu.memory_space<vmem>>, %arg12: memref<16x10240xf32, #tpu.memory_space<vmem_shared>>, %arg13: memref<10240xf32, #tpu.memory_space<vmem_shared>>, %arg14: memref<!tpu.dma_semaphore, #tpu.memory_space<semaphore_mem>>, %arg15: memref<!tpu.dma_semaphore, #tpu.memory_space<semaphore_mem>>, %arg16: memref<!tpu.dma_semaphore, #tpu.memory_space<semaphore_mem>>, %arg17: memref<!tpu.dma_semaphore, #tpu.memory_space<semaphore_mem>>) attributes {dimension_semantics = [#tpu.dimension_semantics<core_parallel>, #tpu.dimension_semantics<subcore_parallel>], iteration_bounds = array<i64: 2, 16>, scalar_prefetch = 0 : i64, scratch_operands = 12 : i64, tpu.core_type = #tpu.core_type<sc_vector_subcore>, window_params = [{transform_indices = #map}, {transform_indices = #map}, {transform_indices = #map1}, {transform_indices = #map1}]} {
    %mul3A = arith.constant 2 : i32
    %mul3A_0 = arith.muli %arg1, %mul3A : i32
    %add3A = arith.addi %mul3A_0, %arg0 : i32
    %broadcast_in_dim3A = arith.constant 1.000000e+00 : f32
    %broadcast_in_dim3A_1 = vector.broadcast %broadcast_in_dim3A : f32 to vector<16xf32>
    %mul3A_2 = arith.constant 19968 : i32
    %mul3A_3 = arith.muli %arg1, %mul3A_2 : i32
    %add3A_4 = arith.constant 0 : i32
    %add3A_5 = arith.addi %mul3A_3, %add3A_4 : i32
    %dma_start3A = arith.constant 0 : i32
    %dma_start3A_6 = arith.constant 0 : i32
    %dma_start3A_7 = tpu.memref_slice %arg6[%dma_start3A, %dma_start3A_6] : memref<2x20096xi32, #tpu.memory_space<vmem>> -> memref<2x4992xi32, #tpu.memory_space<vmem>>
    %dma_start3A_8 = arith.constant 0 : i32
    %dma_start3A_9 = tpu.memref_slice %arg2[%dma_start3A_8, %add3A_5] : memref<2x320000xi32, #tpu.memory_space<hbm>> -> memref<2x4992xi32, #tpu.memory_space<hbm>>
    %dma_start3A_10 = arith.constant 0 : i32
    %dma_start3A_11 = arith.constant 0 : i32
    %dma_start3A_12 = tpu.memref_slice %arg6[%dma_start3A_10, %dma_start3A_11] : memref<2x20096xi32, #tpu.memory_space<vmem>> -> memref<2x4992xi32, #tpu.memory_space<vmem>>
    %dma_start3A_13 = arith.constant 0 : i32
    %dma_start3A_14 = tpu.memref_slice %arg2[%dma_start3A_13, %add3A_5] : memref<2x320000xi32, #tpu.memory_space<hbm>> -> memref<2x4992xi32, #tpu.memory_space<hbm>>
    tpu.enqueue_dma source(%dma_start3A_14 : memref<2x4992xi32, #tpu.memory_space<hbm>>) target(%dma_start3A_12 : memref<2x4992xi32, #tpu.memory_space<vmem>>) target_semaphore(%arg14 : memref<!tpu.dma_semaphore, #tpu.memory_space<semaphore_mem>>)
    %broadcast_in_dim3A_15 = arith.constant 0.000000e+00 : f32
    %broadcast_in_dim3A_16 = vector.broadcast %broadcast_in_dim3A_15 : f32 to vector<16xf32>
    %parallel_loop3A = arith.constant 0 : i32
    %parallel_loop3A_17 = arith.constant 10240 : i32
    %parallel_loop3A_18 = arith.constant 16 : i32
    scf.for %parallel_loop3A_159 = %parallel_loop3A to %parallel_loop3A_17 step %parallel_loop3A_18  : i32 {
      %parallel_loop3A_160 = arith.index_cast %parallel_loop3A_159 : i32 to index
      %parallel_loop3A_161 = tpu.vector_load %arg7[%parallel_loop3A_160] {strides = array<i32>} : memref<10240xf32, #tpu.memory_space<vmem>>, vector<16xf32>,
      tpu.vector_store %arg7[%parallel_loop3A_160], %broadcast_in_dim3A_16 {strides = array<i32>} : memref<10240xf32, #tpu.memory_space<vmem>>, vector<16xf32>,
    } {sc.loop_unroll_factor = 8 : i64, sc.parallel_access}
    %lt3A = arith.constant 4 : i32
    %lt3A_19 = arith.cmpi slt, %arg1, %lt3A : i32
    %convert_element_type3A = arith.extui %lt3A_19 : i1 to i32
    %cond3A = arith.constant 0 : i32
    %cond3A_20 = arith.cmpi ne, %convert_element_type3A, %cond3A : i32
    scf.if %cond3A_20 {
      %add3A_159 = arith.constant 2496 : i32
      %add3A_160 = arith.addi %add3A_159, %arg1 : i32
      %mul3A_161 = arith.constant 128 : i32
      %mul3A_162 = arith.muli %add3A_160, %mul3A_161 : i32
      "tpu.region"() ({
        %run_scoped3A = tpu.sem_alloc : memref<!tpu.dma_semaphore, #tpu.memory_space<semaphore_mem>>
        %dma_start3A_163 = arith.constant 0 : i32
        %dma_start3A_164 = arith.constant 19968 : i32
        %dma_start3A_165 = tpu.memref_slice %arg6[%dma_start3A_163, %dma_start3A_164] : memref<2x20096xi32, #tpu.memory_space<vmem>> -> memref<2x128xi32, #tpu.memory_space<vmem>>
        %dma_start3A_166 = arith.constant 0 : i32
        %dma_start3A_167 = tpu.memref_slice %arg2[%dma_start3A_166, %mul3A_162] : memref<2x320000xi32, #tpu.memory_space<hbm>> -> memref<2x128xi32, #tpu.memory_space<hbm>>
        %dma_start3A_168 = arith.constant 0 : i32
        %dma_start3A_169 = arith.constant 19968 : i32
        %dma_start3A_170 = tpu.memref_slice %arg6[%dma_start3A_168, %dma_start3A_169] : memref<2x20096xi32, #tpu.memory_space<vmem>> -> memref<2x128xi32, #tpu.memory_space<vmem>>
        %dma_start3A_171 = arith.constant 0 : i32
        %dma_start3A_172 = tpu.memref_slice %arg2[%dma_start3A_171, %mul3A_162] : memref<2x320000xi32, #tpu.memory_space<hbm>> -> memref<2x128xi32, #tpu.memory_space<hbm>>
        tpu.enqueue_dma source(%dma_start3A_172 : memref<2x128xi32, #tpu.memory_space<hbm>>) target(%dma_start3A_170 : memref<2x128xi32, #tpu.memory_space<vmem>>) target_semaphore(%run_scoped3A : memref<!tpu.dma_semaphore, #tpu.memory_space<semaphore_mem>>)
        %dma_wait3A_173 = arith.constant 0 : i32
        %dma_wait3A_174 = arith.constant 19968 : i32
        %dma_wait3A_175 = tpu.memref_slice %arg6[%dma_wait3A_173, %dma_wait3A_174] : memref<2x20096xi32, #tpu.memory_space<vmem>> -> memref<2x128xi32, #tpu.memory_space<vmem>>
        %dma_wait3A_176 = arith.constant 0 : i32
        %dma_wait3A_177 = tpu.memref_slice %arg2[%dma_wait3A_176, %mul3A_162] : memref<2x320000xi32, #tpu.memory_space<hbm>> -> memref<2x128xi32, #tpu.memory_space<hbm>>
        %dma_wait3A_178 = arith.constant 0 : i32
        %dma_wait3A_179 = arith.constant 19968 : i32
        %dma_wait3A_180 = tpu.memref_slice %arg6[%dma_wait3A_178, %dma_wait3A_179] : memref<2x20096xi32, #tpu.memory_space<vmem>> -> memref<2x128xi32, #tpu.memory_space<vmem>>
        %dma_wait3A_181 = arith.constant 0 : i32
        %dma_wait3A_182 = tpu.memref_slice %arg2[%dma_wait3A_181, %mul3A_162] : memref<2x320000xi32, #tpu.memory_space<hbm>> -> memref<2x128xi32, #tpu.memory_space<hbm>>
        tpu.wait_dma2 semaphore(%run_scoped3A : memref<!tpu.dma_semaphore, #tpu.memory_space<semaphore_mem>>) src(%dma_wait3A_182 : memref<2x128xi32, #tpu.memory_space<hbm>>) dst(%dma_wait3A_180 : memref<2x128xi32, #tpu.memory_space<vmem>>)
        tpu.yield
      }) : () -> ()
    } else {
    }
    %mul3A_21 = arith.constant 19968 : i32
    %mul3A_22 = arith.muli %arg1, %mul3A_21 : i32
    %add3A_23 = arith.constant 4992 : i32
    %add3A_24 = arith.addi %mul3A_22, %add3A_23 : i32
    %dma_start3A_25 = arith.constant 0 : i32
    %dma_start3A_26 = arith.constant 4992 : i32
    %dma_start3A_27 = tpu.memref_slice %arg6[%dma_start3A_25, %dma_start3A_26] : memref<2x20096xi32, #tpu.memory_space<vmem>> -> memref<2x4992xi32, #tpu.memory_space<vmem>>
    %dma_start3A_28 = arith.constant 0 : i32
    %dma_start3A_29 = tpu.memref_slice %arg2[%dma_start3A_28, %add3A_24] : memref<2x320000xi32, #tpu.memory_space<hbm>> -> memref<2x4992xi32, #tpu.memory_space<hbm>>
    %dma_start3A_30 = arith.constant 0 : i32
    %dma_start3A_31 = arith.constant 4992 : i32
    %dma_start3A_32 = tpu.memref_slice %arg6[%dma_start3A_30, %dma_start3A_31] : memref<2x20096xi32, #tpu.memory_space<vmem>> -> memref<2x4992xi32, #tpu.memory_space<vmem>>
    %dma_start3A_33 = arith.constant 0 : i32
    %dma_start3A_34 = tpu.memref_slice %arg2[%dma_start3A_33, %add3A_24] : memref<2x320000xi32, #tpu.memory_space<hbm>> -> memref<2x4992xi32, #tpu.memory_space<hbm>>
    tpu.enqueue_dma source(%dma_start3A_34 : memref<2x4992xi32, #tpu.memory_space<hbm>>) target(%dma_start3A_32 : memref<2x4992xi32, #tpu.memory_space<vmem>>) target_semaphore(%arg15 : memref<!tpu.dma_semaphore, #tpu.memory_space<semaphore_mem>>)
    %dma_wait3A = arith.constant 0 : i32
    %dma_wait3A_35 = arith.constant 0 : i32
    %dma_wait3A_36 = tpu.memref_slice %arg6[%dma_wait3A, %dma_wait3A_35] : memref<2x20096xi32, #tpu.memory_space<vmem>> -> memref<2x4992xi32, #tpu.memory_space<vmem>>
    %dma_wait3A_37 = arith.constant 0 : i32
    %dma_wait3A_38 = tpu.memref_slice %arg2[%dma_wait3A_37, %add3A_5] : memref<2x320000xi32, #tpu.memory_space<hbm>> -> memref<2x4992xi32, #tpu.memory_space<hbm>>
    %dma_wait3A_39 = arith.constant 0 : i32
    %dma_wait3A_40 = arith.constant 0 : i32
    %dma_wait3A_41 = tpu.memref_slice %arg6[%dma_wait3A_39, %dma_wait3A_40] : memref<2x20096xi32, #tpu.memory_space<vmem>> -> memref<2x4992xi32, #tpu.memory_space<vmem>>
    %dma_wait3A_42 = arith.constant 0 : i32
    %dma_wait3A_43 = tpu.memref_slice %arg2[%dma_wait3A_42, %add3A_5] : memref<2x320000xi32, #tpu.memory_space<hbm>> -> memref<2x4992xi32, #tpu.memory_space<hbm>>
    tpu.wait_dma2 semaphore(%arg14 : memref<!tpu.dma_semaphore, #tpu.memory_space<semaphore_mem>>) src(%dma_wait3A_43 : memref<2x4992xi32, #tpu.memory_space<hbm>>) dst(%dma_wait3A_41 : memref<2x4992xi32, #tpu.memory_space<vmem>>)
    %parallel_loop3A_44 = arith.constant 0 : i32
    %parallel_loop3A_45 = arith.constant 4992 : i32
    %parallel_loop3A_46 = arith.constant 16 : i32
    scf.for %parallel_loop3A_159 = %parallel_loop3A_44 to %parallel_loop3A_45 step %parallel_loop3A_46  : i32 {
      %parallel_loop3A_160 = arith.constant 1 : i32
      %parallel_loop3A_161 = arith.index_cast %parallel_loop3A_160 : i32 to index
      %parallel_loop3A_162 = arith.index_cast %parallel_loop3A_159 : i32 to index
      %parallel_loop3A_163 = tpu.vector_load %arg6[%parallel_loop3A_161, %parallel_loop3A_162] {strides = array<i32>} : memref<2x20096xi32, #tpu.memory_space<vmem>>, vector<16xi32>,
      tpu.vector_store_idx %arg7[%parallel_loop3A_163], %broadcast_in_dim3A_1 {add = true} : memref<10240xf32, #tpu.memory_space<vmem>>[vector<16xi32>], vector<16xf32>,
    } {sc.loop_unroll_factor = 8 : i64, sc.parallel_access}
    %mul3A_47 = arith.constant 19968 : i32
    %mul3A_48 = arith.muli %arg1, %mul3A_47 : i32
    %add3A_49 = arith.constant 9984 : i32
    %add3A_50 = arith.addi %mul3A_48, %add3A_49 : i32
    %dma_start3A_51 = arith.constant 0 : i32
    %dma_start3A_52 = arith.constant 9984 : i32
    %dma_start3A_53 = tpu.memref_slice %arg6[%dma_start3A_51, %dma_start3A_52] : memref<2x20096xi32, #tpu.memory_space<vmem>> -> memref<2x4992xi32, #tpu.memory_space<vmem>>
    %dma_start3A_54 = arith.constant 0 : i32
    %dma_start3A_55 = tpu.memref_slice %arg2[%dma_start3A_54, %add3A_50] : memref<2x320000xi32, #tpu.memory_space<hbm>> -> memref<2x4992xi32, #tpu.memory_space<hbm>>
    %dma_start3A_56 = arith.constant 0 : i32
    %dma_start3A_57 = arith.constant 9984 : i32
    %dma_start3A_58 = tpu.memref_slice %arg6[%dma_start3A_56, %dma_start3A_57] : memref<2x20096xi32, #tpu.memory_space<vmem>> -> memref<2x4992xi32, #tpu.memory_space<vmem>>
    %dma_start3A_59 = arith.constant 0 : i32
    %dma_start3A_60 = tpu.memref_slice %arg2[%dma_start3A_59, %add3A_50] : memref<2x320000xi32, #tpu.memory_space<hbm>> -> memref<2x4992xi32, #tpu.memory_space<hbm>>
    tpu.enqueue_dma source(%dma_start3A_60 : memref<2x4992xi32, #tpu.memory_space<hbm>>) target(%dma_start3A_58 : memref<2x4992xi32, #tpu.memory_space<vmem>>) target_semaphore(%arg16 : memref<!tpu.dma_semaphore, #tpu.memory_space<semaphore_mem>>)
    %dma_wait3A_61 = arith.constant 0 : i32
    %dma_wait3A_62 = arith.constant 4992 : i32
    %dma_wait3A_63 = tpu.memref_slice %arg6[%dma_wait3A_61, %dma_wait3A_62] : memref<2x20096xi32, #tpu.memory_space<vmem>> -> memref<2x4992xi32, #tpu.memory_space<vmem>>
    %dma_wait3A_64 = arith.constant 0 : i32
    %dma_wait3A_65 = tpu.memref_slice %arg2[%dma_wait3A_64, %add3A_24] : memref<2x320000xi32, #tpu.memory_space<hbm>> -> memref<2x4992xi32, #tpu.memory_space<hbm>>
    %dma_wait3A_66 = arith.constant 0 : i32
    %dma_wait3A_67 = arith.constant 4992 : i32
    %dma_wait3A_68 = tpu.memref_slice %arg6[%dma_wait3A_66, %dma_wait3A_67] : memref<2x20096xi32, #tpu.memory_space<vmem>> -> memref<2x4992xi32, #tpu.memory_space<vmem>>
    %dma_wait3A_69 = arith.constant 0 : i32
    %dma_wait3A_70 = tpu.memref_slice %arg2[%dma_wait3A_69, %add3A_24] : memref<2x320000xi32, #tpu.memory_space<hbm>> -> memref<2x4992xi32, #tpu.memory_space<hbm>>
    tpu.wait_dma2 semaphore(%arg15 : memref<!tpu.dma_semaphore, #tpu.memory_space<semaphore_mem>>) src(%dma_wait3A_70 : memref<2x4992xi32, #tpu.memory_space<hbm>>) dst(%dma_wait3A_68 : memref<2x4992xi32, #tpu.memory_space<vmem>>)
    %parallel_loop3A_71 = arith.constant 4992 : i32
    %parallel_loop3A_72 = arith.constant 9984 : i32
    %parallel_loop3A_73 = arith.constant 16 : i32
    scf.for %parallel_loop3A_159 = %parallel_loop3A_71 to %parallel_loop3A_72 step %parallel_loop3A_73  : i32 {
      %parallel_loop3A_160 = arith.constant 1 : i32
      %parallel_loop3A_161 = arith.index_cast %parallel_loop3A_160 : i32 to index
      %parallel_loop3A_162 = arith.index_cast %parallel_loop3A_159 : i32 to index
      %parallel_loop3A_163 = tpu.vector_load %arg6[%parallel_loop3A_161, %parallel_loop3A_162] {strides = array<i32>} : memref<2x20096xi32, #tpu.memory_space<vmem>>, vector<16xi32>,
      tpu.vector_store_idx %arg7[%parallel_loop3A_163], %broadcast_in_dim3A_1 {add = true} : memref<10240xf32, #tpu.memory_space<vmem>>[vector<16xi32>], vector<16xf32>,
    } {sc.loop_unroll_factor = 8 : i64, sc.parallel_access}
    %mul3A_74 = arith.constant 19968 : i32
    %mul3A_75 = arith.muli %arg1, %mul3A_74 : i32
    %add3A_76 = arith.constant 14976 : i32
    %add3A_77 = arith.addi %mul3A_75, %add3A_76 : i32
    %dma_start3A_78 = arith.constant 0 : i32
    %dma_start3A_79 = arith.constant 14976 : i32
    %dma_start3A_80 = tpu.memref_slice %arg6[%dma_start3A_78, %dma_start3A_79] : memref<2x20096xi32, #tpu.memory_space<vmem>> -> memref<2x4992xi32, #tpu.memory_space<vmem>>
    %dma_start3A_81 = arith.constant 0 : i32
    %dma_start3A_82 = tpu.memref_slice %arg2[%dma_start3A_81, %add3A_77] : memref<2x320000xi32, #tpu.memory_space<hbm>> -> memref<2x4992xi32, #tpu.memory_space<hbm>>
    %dma_start3A_83 = arith.constant 0 : i32
    %dma_start3A_84 = arith.constant 14976 : i32
    %dma_start3A_85 = tpu.memref_slice %arg6[%dma_start3A_83, %dma_start3A_84] : memref<2x20096xi32, #tpu.memory_space<vmem>> -> memref<2x4992xi32, #tpu.memory_space<vmem>>
    %dma_start3A_86 = arith.constant 0 : i32
    %dma_start3A_87 = tpu.memref_slice %arg2[%dma_start3A_86, %add3A_77] : memref<2x320000xi32, #tpu.memory_space<hbm>> -> memref<2x4992xi32, #tpu.memory_space<hbm>>
    tpu.enqueue_dma source(%dma_start3A_87 : memref<2x4992xi32, #tpu.memory_space<hbm>>) target(%dma_start3A_85 : memref<2x4992xi32, #tpu.memory_space<vmem>>) target_semaphore(%arg17 : memref<!tpu.dma_semaphore, #tpu.memory_space<semaphore_mem>>)
    %dma_wait3A_88 = arith.constant 0 : i32
    %dma_wait3A_89 = arith.constant 9984 : i32
    %dma_wait3A_90 = tpu.memref_slice %arg6[%dma_wait3A_88, %dma_wait3A_89] : memref<2x20096xi32, #tpu.memory_space<vmem>> -> memref<2x4992xi32, #tpu.memory_space<vmem>>
    %dma_wait3A_91 = arith.constant 0 : i32
    %dma_wait3A_92 = tpu.memref_slice %arg2[%dma_wait3A_91, %add3A_50] : memref<2x320000xi32, #tpu.memory_space<hbm>> -> memref<2x4992xi32, #tpu.memory_space<hbm>>
    %dma_wait3A_93 = arith.constant 0 : i32
    %dma_wait3A_94 = arith.constant 9984 : i32
    %dma_wait3A_95 = tpu.memref_slice %arg6[%dma_wait3A_93, %dma_wait3A_94] : memref<2x20096xi32, #tpu.memory_space<vmem>> -> memref<2x4992xi32, #tpu.memory_space<vmem>>
    %dma_wait3A_96 = arith.constant 0 : i32
    %dma_wait3A_97 = tpu.memref_slice %arg2[%dma_wait3A_96, %add3A_50] : memref<2x320000xi32, #tpu.memory_space<hbm>> -> memref<2x4992xi32, #tpu.memory_space<hbm>>
    tpu.wait_dma2 semaphore(%arg16 : memref<!tpu.dma_semaphore, #tpu.memory_space<semaphore_mem>>) src(%dma_wait3A_97 : memref<2x4992xi32, #tpu.memory_space<hbm>>) dst(%dma_wait3A_95 : memref<2x4992xi32, #tpu.memory_space<vmem>>)
    %parallel_loop3A_98 = arith.constant 9984 : i32
    %parallel_loop3A_99 = arith.constant 14976 : i32
    %parallel_loop3A_100 = arith.constant 16 : i32
    scf.for %parallel_loop3A_159 = %parallel_loop3A_98 to %parallel_loop3A_99 step %parallel_loop3A_100  : i32 {
      %parallel_loop3A_160 = arith.constant 1 : i32
      %parallel_loop3A_161 = arith.index_cast %parallel_loop3A_160 : i32 to index
      %parallel_loop3A_162 = arith.index_cast %parallel_loop3A_159 : i32 to index
      %parallel_loop3A_163 = tpu.vector_load %arg6[%parallel_loop3A_161, %parallel_loop3A_162] {strides = array<i32>} : memref<2x20096xi32, #tpu.memory_space<vmem>>, vector<16xi32>,
      tpu.vector_store_idx %arg7[%parallel_loop3A_163], %broadcast_in_dim3A_1 {add = true} : memref<10240xf32, #tpu.memory_space<vmem>>[vector<16xi32>], vector<16xf32>,
    } {sc.loop_unroll_factor = 8 : i64, sc.parallel_access}
    %dma_wait3A_101 = arith.constant 0 : i32
    %dma_wait3A_102 = arith.constant 14976 : i32
    %dma_wait3A_103 = tpu.memref_slice %arg6[%dma_wait3A_101, %dma_wait3A_102] : memref<2x20096xi32, #tpu.memory_space<vmem>> -> memref<2x4992xi32, #tpu.memory_space<vmem>>
    %dma_wait3A_104 = arith.constant 0 : i32
    %dma_wait3A_105 = tpu.memref_slice %arg2[%dma_wait3A_104, %add3A_77] : memref<2x320000xi32, #tpu.memory_space<hbm>> -> memref<2x4992xi32, #tpu.memory_space<hbm>>
    %dma_wait3A_106 = arith.constant 0 : i32
    %dma_wait3A_107 = arith.constant 14976 : i32
    %dma_wait3A_108 = tpu.memref_slice %arg6[%dma_wait3A_106, %dma_wait3A_107] : memref<2x20096xi32, #tpu.memory_space<vmem>> -> memref<2x4992xi32, #tpu.memory_space<vmem>>
    %dma_wait3A_109 = arith.constant 0 : i32
    %dma_wait3A_110 = tpu.memref_slice %arg2[%dma_wait3A_109, %add3A_77] : memref<2x320000xi32, #tpu.memory_space<hbm>> -> memref<2x4992xi32, #tpu.memory_space<hbm>>
    tpu.wait_dma2 semaphore(%arg17 : memref<!tpu.dma_semaphore, #tpu.memory_space<semaphore_mem>>) src(%dma_wait3A_110 : memref<2x4992xi32, #tpu.memory_space<hbm>>) dst(%dma_wait3A_108 : memref<2x4992xi32, #tpu.memory_space<vmem>>)
    %parallel_loop3A_111 = arith.constant 14976 : i32
    %parallel_loop3A_112 = arith.constant 19968 : i32
    %parallel_loop3A_113 = arith.constant 16 : i32
    scf.for %parallel_loop3A_159 = %parallel_loop3A_111 to %parallel_loop3A_112 step %parallel_loop3A_113  : i32 {
      %parallel_loop3A_160 = arith.constant 1 : i32
      %parallel_loop3A_161 = arith.index_cast %parallel_loop3A_160 : i32 to index
      %parallel_loop3A_162 = arith.index_cast %parallel_loop3A_159 : i32 to index
      %parallel_loop3A_163 = tpu.vector_load %arg6[%parallel_loop3A_161, %parallel_loop3A_162] {strides = array<i32>} : memref<2x20096xi32, #tpu.memory_space<vmem>>, vector<16xi32>,
      tpu.vector_store_idx %arg7[%parallel_loop3A_163], %broadcast_in_dim3A_1 {add = true} : memref<10240xf32, #tpu.memory_space<vmem>>[vector<16xi32>], vector<16xf32>,
    } {sc.loop_unroll_factor = 8 : i64, sc.parallel_access}
    %lt3A_114 = arith.constant 4 : i32
    %lt3A_115 = arith.cmpi slt, %arg1, %lt3A_114 : i32
    %convert_element_type3A_116 = arith.extui %lt3A_115 : i1 to i32
    %cond3A_117 = arith.constant 0 : i32
    %cond3A_118 = arith.cmpi ne, %convert_element_type3A_116, %cond3A_117 : i32
    scf.if %cond3A_118 {
      %parallel_loop3A_159 = arith.constant 0 : i32
      %parallel_loop3A_160 = arith.constant 128 : i32
      %parallel_loop3A_161 = arith.constant 16 : i32
      scf.for %parallel_loop3A_162 = %parallel_loop3A_159 to %parallel_loop3A_160 step %parallel_loop3A_161  : i32 {
        %parallel_loop3A_163 = arith.constant 19968 : i32
        %parallel_loop3A_164 = arith.addi %parallel_loop3A_163, %parallel_loop3A_162 : i32
        %parallel_loop3A_165 = arith.constant 1 : i32
        %parallel_loop3A_166 = arith.index_cast %parallel_loop3A_165 : i32 to index
        %parallel_loop3A_167 = arith.index_cast %parallel_loop3A_164 : i32 to index
        %parallel_loop3A_168 = tpu.vector_load %arg6[%parallel_loop3A_166, %parallel_loop3A_167] {strides = array<i32>} : memref<2x20096xi32, #tpu.memory_space<vmem>>, vector<16xi32>,
        tpu.vector_store_idx %arg7[%parallel_loop3A_168], %broadcast_in_dim3A_1 {add = true} : memref<10240xf32, #tpu.memory_space<vmem>>[vector<16xi32>], vector<16xf32>,
      } {sc.loop_unroll_factor = 1 : i64, sc.parallel_access}
    } else {
    }
    "tpu.region"() ({
      %run_scoped3A = tpu.sem_alloc : memref<!tpu.dma_semaphore, #tpu.memory_space<semaphore_mem>>
      %dma_start3A_159 = arith.constant 0 : i32
      %dma_start3A_160 = tpu.memref_slice %arg12[%arg1, %dma_start3A_159] : memref<16x10240xf32, #tpu.memory_space<vmem_shared>> -> memref<1x10240xf32, #tpu.memory_space<vmem_shared>>
      %dma_start3A_161 = tpu.memref_squeeze %dma_start3A_160 : memref<1x10240xf32, #tpu.memory_space<vmem_shared>> -> memref<10240xf32, #tpu.memory_space<vmem_shared>>
      %dma_start3A_162 = arith.constant 0 : i32
      %dma_start3A_163 = tpu.memref_slice %arg12[%arg1, %dma_start3A_162] : memref<16x10240xf32, #tpu.memory_space<vmem_shared>> -> memref<1x10240xf32, #tpu.memory_space<vmem_shared>>
      %dma_start3A_164 = tpu.memref_squeeze %dma_start3A_163 : memref<1x10240xf32, #tpu.memory_space<vmem_shared>> -> memref<10240xf32, #tpu.memory_space<vmem_shared>>
      tpu.enqueue_dma source(%arg7 : memref<10240xf32, #tpu.memory_space<vmem>>) target(%dma_start3A_164 : memref<10240xf32, #tpu.memory_space<vmem_shared>>) target_semaphore(%run_scoped3A : memref<!tpu.dma_semaphore, #tpu.memory_space<semaphore_mem>>)
      %dma_wait3A_165 = arith.constant 0 : i32
      %dma_wait3A_166 = tpu.memref_slice %arg12[%arg1, %dma_wait3A_165] : memref<16x10240xf32, #tpu.memory_space<vmem_shared>> -> memref<1x10240xf32, #tpu.memory_space<vmem_shared>>
      %dma_wait3A_167 = tpu.memref_squeeze %dma_wait3A_166 : memref<1x10240xf32, #tpu.memory_space<vmem_shared>> -> memref<10240xf32, #tpu.memory_space<vmem_shared>>
      %dma_wait3A_168 = arith.constant 0 : i32
      %dma_wait3A_169 = tpu.memref_slice %arg12[%arg1, %dma_wait3A_168] : memref<16x10240xf32, #tpu.memory_space<vmem_shared>> -> memref<1x10240xf32, #tpu.memory_space<vmem_shared>>
      %dma_wait3A_170 = tpu.memref_squeeze %dma_wait3A_169 : memref<1x10240xf32, #tpu.memory_space<vmem_shared>> -> memref<10240xf32, #tpu.memory_space<vmem_shared>>
      tpu.wait_dma2 semaphore(%run_scoped3A : memref<!tpu.dma_semaphore, #tpu.memory_space<semaphore_mem>>) src(%arg7 : memref<10240xf32, #tpu.memory_space<vmem>>) dst(%dma_wait3A_170 : memref<10240xf32, #tpu.memory_space<vmem_shared>>)
      tpu.yield
    }) : () -> ()
    %barrier3A = arith.constant 0 : index
    tpu.barrier barrier_id(%barrier3A)
    %mul3A_119 = arith.constant 640 : i32
    %mul3A_120 = arith.muli %arg1, %mul3A_119 : i32
    "tpu.region"() ({
      %run_scoped3A = tpu.sem_alloc : memref<!tpu.dma_semaphore, #tpu.memory_space<semaphore_mem>>
      %dma_start3A_159 = arith.constant 0 : i32
      %dma_start3A_160 = tpu.memref_slice %arg12[%dma_start3A_159, %mul3A_120] : memref<16x10240xf32, #tpu.memory_space<vmem_shared>> -> memref<16x640xf32, #tpu.memory_space<vmem_shared>>
      %dma_start3A_161 = arith.constant 0 : i32
      %dma_start3A_162 = tpu.memref_slice %arg12[%dma_start3A_161, %mul3A_120] : memref<16x10240xf32, #tpu.memory_space<vmem_shared>> -> memref<16x640xf32, #tpu.memory_space<vmem_shared>>
      tpu.enqueue_dma source(%dma_start3A_162 : memref<16x640xf32, #tpu.memory_space<vmem_shared>>) target(%arg9 : memref<16x640xf32, #tpu.memory_space<vmem>>) target_semaphore(%run_scoped3A : memref<!tpu.dma_semaphore, #tpu.memory_space<semaphore_mem>>)
      %dma_wait3A_163 = arith.constant 0 : i32
      %dma_wait3A_164 = tpu.memref_slice %arg12[%dma_wait3A_163, %mul3A_120] : memref<16x10240xf32, #tpu.memory_space<vmem_shared>> -> memref<16x640xf32, #tpu.memory_space<vmem_shared>>
      %dma_wait3A_165 = arith.constant 0 : i32
      %dma_wait3A_166 = tpu.memref_slice %arg12[%dma_wait3A_165, %mul3A_120] : memref<16x10240xf32, #tpu.memory_space<vmem_shared>> -> memref<16x640xf32, #tpu.memory_space<vmem_shared>>
      tpu.wait_dma2 semaphore(%run_scoped3A : memref<!tpu.dma_semaphore, #tpu.memory_space<semaphore_mem>>) src(%dma_wait3A_166 : memref<16x640xf32, #tpu.memory_space<vmem_shared>>) dst(%arg9 : memref<16x640xf32, #tpu.memory_space<vmem>>)
      tpu.yield
    }) : () -> ()
    %parallel_loop3A_121 = arith.constant 0 : i32
    %parallel_loop3A_122 = arith.constant 640 : i32
    %parallel_loop3A_123 = arith.constant 16 : i32
    scf.for %parallel_loop3A_159 = %parallel_loop3A_121 to %parallel_loop3A_122 step %parallel_loop3A_123  : i32 {
      %parallel_loop3A_160 = arith.constant 0 : i32
      %parallel_loop3A_161 = arith.index_cast %parallel_loop3A_160 : i32 to index
      %parallel_loop3A_162 = arith.index_cast %parallel_loop3A_159 : i32 to index
      %parallel_loop3A_163 = tpu.vector_load %arg9[%parallel_loop3A_161, %parallel_loop3A_162] {strides = array<i32>} : memref<16x640xf32, #tpu.memory_space<vmem>>, vector<16xf32>,
      %parallel_loop3A_164 = arith.constant 1 : i32
      %parallel_loop3A_165 = arith.index_cast %parallel_loop3A_164 : i32 to index
      %parallel_loop3A_166 = arith.index_cast %parallel_loop3A_159 : i32 to index
      %parallel_loop3A_167 = tpu.vector_load %arg9[%parallel_loop3A_165, %parallel_loop3A_166] {strides = array<i32>} : memref<16x640xf32, #tpu.memory_space<vmem>>, vector<16xf32>,
      %parallel_loop3A_168 = arith.addf %parallel_loop3A_163, %parallel_loop3A_167 : vector<16xf32>
      %parallel_loop3A_169 = arith.constant 2 : i32
      %parallel_loop3A_170 = arith.index_cast %parallel_loop3A_169 : i32 to index
      %parallel_loop3A_171 = arith.index_cast %parallel_loop3A_159 : i32 to index
      %parallel_loop3A_172 = tpu.vector_load %arg9[%parallel_loop3A_170, %parallel_loop3A_171] {strides = array<i32>} : memref<16x640xf32, #tpu.memory_space<vmem>>, vector<16xf32>,
      %parallel_loop3A_173 = arith.addf %parallel_loop3A_168, %parallel_loop3A_172 : vector<16xf32>
      %parallel_loop3A_174 = arith.constant 3 : i32
      %parallel_loop3A_175 = arith.index_cast %parallel_loop3A_174 : i32 to index
      %parallel_loop3A_176 = arith.index_cast %parallel_loop3A_159 : i32 to index
      %parallel_loop3A_177 = tpu.vector_load %arg9[%parallel_loop3A_175, %parallel_loop3A_176] {strides = array<i32>} : memref<16x640xf32, #tpu.memory_space<vmem>>, vector<16xf32>,
      %parallel_loop3A_178 = arith.addf %parallel_loop3A_173, %parallel_loop3A_177 : vector<16xf32>
      %parallel_loop3A_179 = arith.constant 4 : i32
      %parallel_loop3A_180 = arith.index_cast %parallel_loop3A_179 : i32 to index
      %parallel_loop3A_181 = arith.index_cast %parallel_loop3A_159 : i32 to index
      %parallel_loop3A_182 = tpu.vector_load %arg9[%parallel_loop3A_180, %parallel_loop3A_181] {strides = array<i32>} : memref<16x640xf32, #tpu.memory_space<vmem>>, vector<16xf32>,
      %parallel_loop3A_183 = arith.addf %parallel_loop3A_178, %parallel_loop3A_182 : vector<16xf32>
      %parallel_loop3A_184 = arith.constant 5 : i32
      %parallel_loop3A_185 = arith.index_cast %parallel_loop3A_184 : i32 to index
      %parallel_loop3A_186 = arith.index_cast %parallel_loop3A_159 : i32 to index
      %parallel_loop3A_187 = tpu.vector_load %arg9[%parallel_loop3A_185, %parallel_loop3A_186] {strides = array<i32>} : memref<16x640xf32, #tpu.memory_space<vmem>>, vector<16xf32>,
      %parallel_loop3A_188 = arith.addf %parallel_loop3A_183, %parallel_loop3A_187 : vector<16xf32>
      %parallel_loop3A_189 = arith.constant 6 : i32
      %parallel_loop3A_190 = arith.index_cast %parallel_loop3A_189 : i32 to index
      %parallel_loop3A_191 = arith.index_cast %parallel_loop3A_159 : i32 to index
      %parallel_loop3A_192 = tpu.vector_load %arg9[%parallel_loop3A_190, %parallel_loop3A_191] {strides = array<i32>} : memref<16x640xf32, #tpu.memory_space<vmem>>, vector<16xf32>,
      %parallel_loop3A_193 = arith.addf %parallel_loop3A_188, %parallel_loop3A_192 : vector<16xf32>
      %parallel_loop3A_194 = arith.constant 7 : i32
      %parallel_loop3A_195 = arith.index_cast %parallel_loop3A_194 : i32 to index
      %parallel_loop3A_196 = arith.index_cast %parallel_loop3A_159 : i32 to index
      %parallel_loop3A_197 = tpu.vector_load %arg9[%parallel_loop3A_195, %parallel_loop3A_196] {strides = array<i32>} : memref<16x640xf32, #tpu.memory_space<vmem>>, vector<16xf32>,
      %parallel_loop3A_198 = arith.addf %parallel_loop3A_193, %parallel_loop3A_197 : vector<16xf32>
      %parallel_loop3A_199 = arith.constant 8 : i32
      %parallel_loop3A_200 = arith.index_cast %parallel_loop3A_199 : i32 to index
      %parallel_loop3A_201 = arith.index_cast %parallel_loop3A_159 : i32 to index
      %parallel_loop3A_202 = tpu.vector_load %arg9[%parallel_loop3A_200, %parallel_loop3A_201] {strides = array<i32>} : memref<16x640xf32, #tpu.memory_space<vmem>>, vector<16xf32>,
      %parallel_loop3A_203 = arith.addf %parallel_loop3A_198, %parallel_loop3A_202 : vector<16xf32>
      %parallel_loop3A_204 = arith.constant 9 : i32
      %parallel_loop3A_205 = arith.index_cast %parallel_loop3A_204 : i32 to index
      %parallel_loop3A_206 = arith.index_cast %parallel_loop3A_159 : i32 to index
      %parallel_loop3A_207 = tpu.vector_load %arg9[%parallel_loop3A_205, %parallel_loop3A_206] {strides = array<i32>} : memref<16x640xf32, #tpu.memory_space<vmem>>, vector<16xf32>,
      %parallel_loop3A_208 = arith.addf %parallel_loop3A_203, %parallel_loop3A_207 : vector<16xf32>
      %parallel_loop3A_209 = arith.constant 10 : i32
      %parallel_loop3A_210 = arith.index_cast %parallel_loop3A_209 : i32 to index
      %parallel_loop3A_211 = arith.index_cast %parallel_loop3A_159 : i32 to index
      %parallel_loop3A_212 = tpu.vector_load %arg9[%parallel_loop3A_210, %parallel_loop3A_211] {strides = array<i32>} : memref<16x640xf32, #tpu.memory_space<vmem>>, vector<16xf32>,
      %parallel_loop3A_213 = arith.addf %parallel_loop3A_208, %parallel_loop3A_212 : vector<16xf32>
      %parallel_loop3A_214 = arith.constant 11 : i32
      %parallel_loop3A_215 = arith.index_cast %parallel_loop3A_214 : i32 to index
      %parallel_loop3A_216 = arith.index_cast %parallel_loop3A_159 : i32 to index
      %parallel_loop3A_217 = tpu.vector_load %arg9[%parallel_loop3A_215, %parallel_loop3A_216] {strides = array<i32>} : memref<16x640xf32, #tpu.memory_space<vmem>>, vector<16xf32>,
      %parallel_loop3A_218 = arith.addf %parallel_loop3A_213, %parallel_loop3A_217 : vector<16xf32>
      %parallel_loop3A_219 = arith.constant 12 : i32
      %parallel_loop3A_220 = arith.index_cast %parallel_loop3A_219 : i32 to index
      %parallel_loop3A_221 = arith.index_cast %parallel_loop3A_159 : i32 to index
      %parallel_loop3A_222 = tpu.vector_load %arg9[%parallel_loop3A_220, %parallel_loop3A_221] {strides = array<i32>} : memref<16x640xf32, #tpu.memory_space<vmem>>, vector<16xf32>,
      %parallel_loop3A_223 = arith.addf %parallel_loop3A_218, %parallel_loop3A_222 : vector<16xf32>
      %parallel_loop3A_224 = arith.constant 13 : i32
      %parallel_loop3A_225 = arith.index_cast %parallel_loop3A_224 : i32 to index
      %parallel_loop3A_226 = arith.index_cast %parallel_loop3A_159 : i32 to index
      %parallel_loop3A_227 = tpu.vector_load %arg9[%parallel_loop3A_225, %parallel_loop3A_226] {strides = array<i32>} : memref<16x640xf32, #tpu.memory_space<vmem>>, vector<16xf32>,
      %parallel_loop3A_228 = arith.addf %parallel_loop3A_223, %parallel_loop3A_227 : vector<16xf32>
      %parallel_loop3A_229 = arith.constant 14 : i32
      %parallel_loop3A_230 = arith.index_cast %parallel_loop3A_229 : i32 to index
      %parallel_loop3A_231 = arith.index_cast %parallel_loop3A_159 : i32 to index
      %parallel_loop3A_232 = tpu.vector_load %arg9[%parallel_loop3A_230, %parallel_loop3A_231] {strides = array<i32>} : memref<16x640xf32, #tpu.memory_space<vmem>>, vector<16xf32>,
      %parallel_loop3A_233 = arith.addf %parallel_loop3A_228, %parallel_loop3A_232 : vector<16xf32>
      %parallel_loop3A_234 = arith.constant 15 : i32
      %parallel_loop3A_235 = arith.index_cast %parallel_loop3A_234 : i32 to index
      %parallel_loop3A_236 = arith.index_cast %parallel_loop3A_159 : i32 to index
      %parallel_loop3A_237 = tpu.vector_load %arg9[%parallel_loop3A_235, %parallel_loop3A_236] {strides = array<i32>} : memref<16x640xf32, #tpu.memory_space<vmem>>, vector<16xf32>,
      %parallel_loop3A_238 = arith.addf %parallel_loop3A_233, %parallel_loop3A_237 : vector<16xf32>
      %parallel_loop3A_239 = arith.constant 1.000000e+00 : f32
      %parallel_loop3A_240 = vector.broadcast %parallel_loop3A_239 : f32 to vector<16xf32>
      %parallel_loop3A_241 = arith.addf %parallel_loop3A_238, %parallel_loop3A_240 : vector<16xf32>
      %parallel_loop3A_242 = arith.constant 5.000000e-01 : f32
      %parallel_loop3A_243 = vector.broadcast %parallel_loop3A_242 : f32 to vector<16xf32>
      %parallel_loop3A_244 = arith.mulf %parallel_loop3A_243, %parallel_loop3A_241 : vector<16xf32>
      %parallel_loop3A_245 = arith.constant 1597463007 : i32
      %parallel_loop3A_246 = vector.broadcast %parallel_loop3A_245 : i32 to vector<16xi32>
      %parallel_loop3A_247 = vector.bitcast %parallel_loop3A_241 : vector<16xf32> to vector<16xi32>
      %parallel_loop3A_248 = arith.constant 1 : i32
      %parallel_loop3A_249 = vector.broadcast %parallel_loop3A_248 : i32 to vector<16xi32>
      %parallel_loop3A_250 = arith.shrui %parallel_loop3A_247, %parallel_loop3A_249 : vector<16xi32>
      %parallel_loop3A_251 = arith.subi %parallel_loop3A_246, %parallel_loop3A_250 : vector<16xi32>
      %parallel_loop3A_252 = vector.bitcast %parallel_loop3A_251 : vector<16xi32> to vector<16xf32>
      %parallel_loop3A_253 = arith.mulf %parallel_loop3A_244, %parallel_loop3A_252 : vector<16xf32>
      %parallel_loop3A_254 = arith.mulf %parallel_loop3A_253, %parallel_loop3A_252 : vector<16xf32>
      %parallel_loop3A_255 = arith.constant 1.500000e+00 : f32
      %parallel_loop3A_256 = vector.broadcast %parallel_loop3A_255 : f32 to vector<16xf32>
      %parallel_loop3A_257 = arith.subf %parallel_loop3A_256, %parallel_loop3A_254 : vector<16xf32>
      %parallel_loop3A_258 = arith.mulf %parallel_loop3A_252, %parallel_loop3A_257 : vector<16xf32>
      %parallel_loop3A_259 = arith.mulf %parallel_loop3A_244, %parallel_loop3A_258 : vector<16xf32>
      %parallel_loop3A_260 = arith.mulf %parallel_loop3A_259, %parallel_loop3A_258 : vector<16xf32>
      %parallel_loop3A_261 = arith.constant 1.500000e+00 : f32
      %parallel_loop3A_262 = vector.broadcast %parallel_loop3A_261 : f32 to vector<16xf32>
      %parallel_loop3A_263 = arith.subf %parallel_loop3A_262, %parallel_loop3A_260 : vector<16xf32>
      %parallel_loop3A_264 = arith.mulf %parallel_loop3A_258, %parallel_loop3A_263 : vector<16xf32>
      %parallel_loop3A_265 = arith.mulf %parallel_loop3A_244, %parallel_loop3A_264 : vector<16xf32>
      %parallel_loop3A_266 = arith.mulf %parallel_loop3A_265, %parallel_loop3A_264 : vector<16xf32>
      %parallel_loop3A_267 = arith.constant 1.500000e+00 : f32
      %parallel_loop3A_268 = vector.broadcast %parallel_loop3A_267 : f32 to vector<16xf32>
      %parallel_loop3A_269 = arith.subf %parallel_loop3A_268, %parallel_loop3A_266 : vector<16xf32>
      %parallel_loop3A_270 = arith.mulf %parallel_loop3A_264, %parallel_loop3A_269 : vector<16xf32>
      %parallel_loop3A_271 = arith.index_cast %parallel_loop3A_159 : i32 to index
      %parallel_loop3A_272 = tpu.vector_load %arg10[%parallel_loop3A_271] {strides = array<i32>} : memref<640xf32, #tpu.memory_space<vmem>>, vector<16xf32>,
      tpu.vector_store %arg10[%parallel_loop3A_271], %parallel_loop3A_270 {strides = array<i32>} : memref<640xf32, #tpu.memory_space<vmem>>, vector<16xf32>,
      %parallel_loop3A_273 = arith.constant 1.000000e+00 : f32
      %parallel_loop3A_274 = vector.broadcast %parallel_loop3A_273 : f32 to vector<16xf32>
      %parallel_loop3A_275 = arith.divf %parallel_loop3A_274, %parallel_loop3A_241 : vector<16xf32>
      %parallel_loop3A_276 = arith.index_cast %parallel_loop3A_159 : i32 to index
      %parallel_loop3A_277 = tpu.vector_load %arg11[%parallel_loop3A_276] {strides = array<i32>} : memref<640xf32, #tpu.memory_space<vmem>>, vector<16xf32>,
      tpu.vector_store %arg11[%parallel_loop3A_276], %parallel_loop3A_275 {strides = array<i32>} : memref<640xf32, #tpu.memory_space<vmem>>, vector<16xf32>,
    } {sc.loop_unroll_factor = 2 : i64, sc.parallel_access}
    %mul3A_124 = arith.constant 640 : i32
    %mul3A_125 = arith.muli %arg1, %mul3A_124 : i32
    "tpu.region"() ({
      %run_scoped3A = tpu.sem_alloc : memref<!tpu.dma_semaphore, #tpu.memory_space<semaphore_mem>>
      %dma_start3A_159 = tpu.memref_slice %arg13[%mul3A_125] : memref<10240xf32, #tpu.memory_space<vmem_shared>> -> memref<640xf32, #tpu.memory_space<vmem_shared>>
      %dma_start3A_160 = tpu.memref_slice %arg13[%mul3A_125] : memref<10240xf32, #tpu.memory_space<vmem_shared>> -> memref<640xf32, #tpu.memory_space<vmem_shared>>
      tpu.enqueue_dma source(%arg10 : memref<640xf32, #tpu.memory_space<vmem>>) target(%dma_start3A_160 : memref<640xf32, #tpu.memory_space<vmem_shared>>) target_semaphore(%run_scoped3A : memref<!tpu.dma_semaphore, #tpu.memory_space<semaphore_mem>>)
      %dma_wait3A_161 = tpu.memref_slice %arg13[%mul3A_125] : memref<10240xf32, #tpu.memory_space<vmem_shared>> -> memref<640xf32, #tpu.memory_space<vmem_shared>>
      %dma_wait3A_162 = tpu.memref_slice %arg13[%mul3A_125] : memref<10240xf32, #tpu.memory_space<vmem_shared>> -> memref<640xf32, #tpu.memory_space<vmem_shared>>
      tpu.wait_dma2 semaphore(%run_scoped3A : memref<!tpu.dma_semaphore, #tpu.memory_space<semaphore_mem>>) src(%arg10 : memref<640xf32, #tpu.memory_space<vmem>>) dst(%dma_wait3A_162 : memref<640xf32, #tpu.memory_space<vmem_shared>>)
      tpu.yield
    }) : () -> ()
    %eq3A = arith.constant 0 : i32
    %eq3A_126 = arith.cmpi eq, %arg0, %eq3A : i32
    %convert_element_type3A_127 = arith.extui %eq3A_126 : i1 to i32
    %cond3A_128 = arith.constant 0 : i32
    %cond3A_129 = arith.cmpi ne, %convert_element_type3A_127, %cond3A_128 : i32
    scf.if %cond3A_129 {
      %mul3A_159 = arith.constant 640 : i32
      %mul3A_160 = arith.muli %arg1, %mul3A_159 : i32
      "tpu.region"() ({
        %run_scoped3A = tpu.sem_alloc : memref<!tpu.dma_semaphore, #tpu.memory_space<semaphore_mem>>
        %dma_start3A_163 = tpu.memref_slice %arg4[%mul3A_160] : memref<10240xf32, #tpu.memory_space<hbm>> -> memref<640xf32, #tpu.memory_space<hbm>>
        %dma_start3A_164 = tpu.memref_slice %arg4[%mul3A_160] : memref<10240xf32, #tpu.memory_space<hbm>> -> memref<640xf32, #tpu.memory_space<hbm>>
        tpu.enqueue_dma source(%arg10 : memref<640xf32, #tpu.memory_space<vmem>>) target(%dma_start3A_164 : memref<640xf32, #tpu.memory_space<hbm>>) target_semaphore(%run_scoped3A : memref<!tpu.dma_semaphore, #tpu.memory_space<semaphore_mem>>)
        %dma_wait3A_165 = tpu.memref_slice %arg4[%mul3A_160] : memref<10240xf32, #tpu.memory_space<hbm>> -> memref<640xf32, #tpu.memory_space<hbm>>
        %dma_wait3A_166 = tpu.memref_slice %arg4[%mul3A_160] : memref<10240xf32, #tpu.memory_space<hbm>> -> memref<640xf32, #tpu.memory_space<hbm>>
        tpu.wait_dma2 semaphore(%run_scoped3A : memref<!tpu.dma_semaphore, #tpu.memory_space<semaphore_mem>>) src(%arg10 : memref<640xf32, #tpu.memory_space<vmem>>) dst(%dma_wait3A_166 : memref<640xf32, #tpu.memory_space<hbm>>)
        tpu.yield
      }) : () -> ()
      %mul3A_161 = arith.constant 640 : i32
      %mul3A_162 = arith.muli %arg1, %mul3A_161 : i32
      "tpu.region"() ({
        %run_scoped3A = tpu.sem_alloc : memref<!tpu.dma_semaphore, #tpu.memory_space<semaphore_mem>>
        %dma_start3A_163 = tpu.memref_slice %arg5[%mul3A_162] : memref<10240xf32, #tpu.memory_space<hbm>> -> memref<640xf32, #tpu.memory_space<hbm>>
        %dma_start3A_164 = tpu.memref_slice %arg5[%mul3A_162] : memref<10240xf32, #tpu.memory_space<hbm>> -> memref<640xf32, #tpu.memory_space<hbm>>
        tpu.enqueue_dma source(%arg11 : memref<640xf32, #tpu.memory_space<vmem>>) target(%dma_start3A_164 : memref<640xf32, #tpu.memory_space<hbm>>) target_semaphore(%run_scoped3A : memref<!tpu.dma_semaphore, #tpu.memory_space<semaphore_mem>>)
        %dma_wait3A_165 = tpu.memref_slice %arg5[%mul3A_162] : memref<10240xf32, #tpu.memory_space<hbm>> -> memref<640xf32, #tpu.memory_space<hbm>>
        %dma_wait3A_166 = tpu.memref_slice %arg5[%mul3A_162] : memref<10240xf32, #tpu.memory_space<hbm>> -> memref<640xf32, #tpu.memory_space<hbm>>
        tpu.wait_dma2 semaphore(%run_scoped3A : memref<!tpu.dma_semaphore, #tpu.memory_space<semaphore_mem>>) src(%arg11 : memref<640xf32, #tpu.memory_space<vmem>>) dst(%dma_wait3A_166 : memref<640xf32, #tpu.memory_space<hbm>>)
        tpu.yield
      }) : () -> ()
    } else {
    }
    %barrier3A_130 = arith.constant 0 : index
    tpu.barrier barrier_id(%barrier3A_130)
    tpu.enqueue_dma source(%arg13 : memref<10240xf32, #tpu.memory_space<vmem_shared>>) target(%arg8 : memref<10240xf32, #tpu.memory_space<vmem>>) target_semaphore(%arg14 : memref<!tpu.dma_semaphore, #tpu.memory_space<semaphore_mem>>)
    %broadcast_in_dim3A_131 = arith.constant 0.000000e+00 : f32
    %broadcast_in_dim3A_132 = vector.broadcast %broadcast_in_dim3A_131 : f32 to vector<16xf32>
    %parallel_loop3A_133 = arith.constant 0 : i32
    %parallel_loop3A_134 = arith.constant 10240 : i32
    %parallel_loop3A_135 = arith.constant 16 : i32
    scf.for %parallel_loop3A_159 = %parallel_loop3A_133 to %parallel_loop3A_134 step %parallel_loop3A_135  : i32 {
      %parallel_loop3A_160 = arith.index_cast %parallel_loop3A_159 : i32 to index
      %parallel_loop3A_161 = tpu.vector_load %arg7[%parallel_loop3A_160] {strides = array<i32>} : memref<10240xf32, #tpu.memory_space<vmem>>, vector<16xf32>,
      tpu.vector_store %arg7[%parallel_loop3A_160], %broadcast_in_dim3A_132 {strides = array<i32>} : memref<10240xf32, #tpu.memory_space<vmem>>, vector<16xf32>,
    } {sc.loop_unroll_factor = 8 : i64, sc.parallel_access}
    tpu.wait_dma2 semaphore(%arg14 : memref<!tpu.dma_semaphore, #tpu.memory_space<semaphore_mem>>) src(%arg13 : memref<10240xf32, #tpu.memory_space<vmem_shared>>) dst(%arg8 : memref<10240xf32, #tpu.memory_space<vmem>>)
    %mul3A_136 = arith.constant 9984 : i32
    %mul3A_137 = arith.muli %arg0, %mul3A_136 : i32
    %parallel_loop3A_138 = arith.constant 0 : i32
    %parallel_loop3A_139 = arith.constant 9984 : i32
    %parallel_loop3A_140 = arith.constant 16 : i32
    scf.for %parallel_loop3A_159 = %parallel_loop3A_138 to %parallel_loop3A_139 step %parallel_loop3A_140  : i32 {
      %parallel_loop3A_160 = arith.addi %mul3A_137, %parallel_loop3A_159 : i32
      %parallel_loop3A_161 = arith.constant 1 : i32
      %parallel_loop3A_162 = arith.index_cast %parallel_loop3A_161 : i32 to index
      %parallel_loop3A_163 = arith.index_cast %parallel_loop3A_160 : i32 to index
      %parallel_loop3A_164 = tpu.vector_load %arg6[%parallel_loop3A_162, %parallel_loop3A_163] {strides = array<i32>} : memref<2x20096xi32, #tpu.memory_space<vmem>>, vector<16xi32>,
      %parallel_loop3A_165 = tpu.vector_load_idx %arg8[%parallel_loop3A_164] : memref<10240xf32, #tpu.memory_space<vmem>>[vector<16xi32>], vector<16xf32>,
      %parallel_loop3A_166 = arith.addi %mul3A_137, %parallel_loop3A_159 : i32
      %parallel_loop3A_167 = arith.constant 0 : i32
      %parallel_loop3A_168 = arith.index_cast %parallel_loop3A_167 : i32 to index
      %parallel_loop3A_169 = arith.index_cast %parallel_loop3A_166 : i32 to index
      %parallel_loop3A_170 = tpu.vector_load %arg6[%parallel_loop3A_168, %parallel_loop3A_169] {strides = array<i32>} : memref<2x20096xi32, #tpu.memory_space<vmem>>, vector<16xi32>,
      tpu.vector_store_idx %arg7[%parallel_loop3A_170], %parallel_loop3A_165 {add = true} : memref<10240xf32, #tpu.memory_space<vmem>>[vector<16xi32>], vector<16xf32>,
    } {sc.loop_unroll_factor = 8 : i64, sc.parallel_access}
    %lt3A_141 = arith.constant 4 : i32
    %lt3A_142 = arith.cmpi slt, %arg1, %lt3A_141 : i32
    %jit3A = arith.constant 2 : i32
    %eq3A_143 = arith.constant 0 : i32
    %eq3A_144 = arith.cmpi eq, %jit3A, %eq3A_143 : i32
    %jit3A_145 = arith.constant 1 : i32
    %select_n3A = arith.select %eq3A_144, %jit3A_145, %jit3A : i32
    %rem3A = arith.remsi %arg1, %select_n3A : i32
    %ne3A = arith.constant 0 : i32
    %ne3A_146 = arith.cmpi ne, %rem3A, %ne3A : i32
    %lt3A_147 = arith.constant 0 : i32
    %lt3A_148 = arith.cmpi slt, %rem3A, %lt3A_147 : i32
    %lt3A_149 = arith.constant 0 : i32
    %lt3A_150 = arith.cmpi slt, %select_n3A, %lt3A_149 : i32
    %ne3A_151 = arith.xori %lt3A_148, %lt3A_150 : i1
    %and3A = arith.andi %ne3A_151, %ne3A_146 : i1
    %add3A_152 = arith.addi %rem3A, %select_n3A : i32
    %select_n3A_153 = arith.select %and3A, %add3A_152, %rem3A : i32
    %eq3A_154 = arith.cmpi eq, %arg0, %select_n3A_153 : i32
    %and3A_155 = arith.andi %lt3A_142, %eq3A_154 : i1
    %convert_element_type3A_156 = arith.extui %and3A_155 : i1 to i32
    %cond3A_157 = arith.constant 0 : i32
    %cond3A_158 = arith.cmpi ne, %convert_element_type3A_156, %cond3A_157 : i32
    scf.if %cond3A_158 {
      %parallel_loop3A_159 = arith.constant 0 : i32
      %parallel_loop3A_160 = arith.constant 128 : i32
      %parallel_loop3A_161 = arith.constant 16 : i32
      scf.for %parallel_loop3A_162 = %parallel_loop3A_159 to %parallel_loop3A_160 step %parallel_loop3A_161  : i32 {
        %parallel_loop3A_163 = arith.constant 19968 : i32
        %parallel_loop3A_164 = arith.addi %parallel_loop3A_163, %parallel_loop3A_162 : i32
        %parallel_loop3A_165 = arith.constant 1 : i32
        %parallel_loop3A_166 = arith.index_cast %parallel_loop3A_165 : i32 to index
        %parallel_loop3A_167 = arith.index_cast %parallel_loop3A_164 : i32 to index
        %parallel_loop3A_168 = tpu.vector_load %arg6[%parallel_loop3A_166, %parallel_loop3A_167] {strides = array<i32>} : memref<2x20096xi32, #tpu.memory_space<vmem>>, vector<16xi32>,
        %parallel_loop3A_169 = tpu.vector_load_idx %arg8[%parallel_loop3A_168] : memref<10240xf32, #tpu.memory_space<vmem>>[vector<16xi32>], vector<16xf32>,
        %parallel_loop3A_170 = arith.constant 19968 : i32
        %parallel_loop3A_171 = arith.addi %parallel_loop3A_170, %parallel_loop3A_162 : i32
        %parallel_loop3A_172 = arith.constant 0 : i32
        %parallel_loop3A_173 = arith.index_cast %parallel_loop3A_172 : i32 to index
        %parallel_loop3A_174 = arith.index_cast %parallel_loop3A_171 : i32 to index
        %parallel_loop3A_175 = tpu.vector_load %arg6[%parallel_loop3A_173, %parallel_loop3A_174] {strides = array<i32>} : memref<2x20096xi32, #tpu.memory_space<vmem>>, vector<16xi32>,
        tpu.vector_store_idx %arg7[%parallel_loop3A_175], %parallel_loop3A_169 {add = true} : memref<10240xf32, #tpu.memory_space<vmem>>[vector<16xi32>], vector<16xf32>,
      } {sc.loop_unroll_factor = 1 : i64, sc.parallel_access}
    } else {
    }
    "tpu.region"() ({
      %run_scoped3A = tpu.sem_alloc : memref<!tpu.dma_semaphore, #tpu.memory_space<semaphore_mem>>
      %dma_start3A_159 = arith.constant 0 : i32
      %dma_start3A_160 = tpu.memref_slice %arg3[%add3A, %dma_start3A_159] : memref<32x10240xf32, #tpu.memory_space<hbm>> -> memref<1x10240xf32, #tpu.memory_space<hbm>>
      %dma_start3A_161 = tpu.memref_squeeze %dma_start3A_160 : memref<1x10240xf32, #tpu.memory_space<hbm>> -> memref<10240xf32, #tpu.memory_space<hbm>>
      %dma_start3A_162 = arith.constant 0 : i32
      %dma_start3A_163 = tpu.memref_slice %arg3[%add3A, %dma_start3A_162] : memref<32x10240xf32, #tpu.memory_space<hbm>> -> memref<1x10240xf32, #tpu.memory_space<hbm>>
      %dma_start3A_164 = tpu.memref_squeeze %dma_start3A_163 : memref<1x10240xf32, #tpu.memory_space<hbm>> -> memref<10240xf32, #tpu.memory_space<hbm>>
      tpu.enqueue_dma source(%arg7 : memref<10240xf32, #tpu.memory_space<vmem>>) target(%dma_start3A_164 : memref<10240xf32, #tpu.memory_space<hbm>>) target_semaphore(%run_scoped3A : memref<!tpu.dma_semaphore, #tpu.memory_space<semaphore_mem>>)
      %dma_wait3A_165 = arith.constant 0 : i32
      %dma_wait3A_166 = tpu.memref_slice %arg3[%add3A, %dma_wait3A_165] : memref<32x10240xf32, #tpu.memory_space<hbm>> -> memref<1x10240xf32, #tpu.memory_space<hbm>>
      %dma_wait3A_167 = tpu.memref_squeeze %dma_wait3A_166 : memref<1x10240xf32, #tpu.memory_space<hbm>> -> memref<10240xf32, #tpu.memory_space<hbm>>
      %dma_wait3A_168 = arith.constant 0 : i32
      %dma_wait3A_169 = tpu.memref_slice %arg3[%add3A, %dma_wait3A_168] : memref<32x10240xf32, #tpu.memory_space<hbm>> -> memref<1x10240xf32, #tpu.memory_space<hbm>>
      %dma_wait3A_170 = tpu.memref_squeeze %dma_wait3A_169 : memref<1x10240xf32, #tpu.memory_space<hbm>> -> memref<10240xf32, #tpu.memory_space<hbm>>
      tpu.wait_dma2 semaphore(%run_scoped3A : memref<!tpu.dma_semaphore, #tpu.memory_space<semaphore_mem>>) src(%arg7 : memref<10240xf32, #tpu.memory_space<vmem>>) dst(%dma_wait3A_170 : memref<10240xf32, #tpu.memory_space<hbm>>)
      tpu.yield
    }) : () -> ()
    return
  }
}

module attributes {stable_mosaic.version = 14 : i64} {
  func.func @final_body(%arg0: memref<32x10240xf32, #tpu.memory_space<vmem>>, %arg1: memref<10240xf32, #tpu.memory_space<vmem>>, %arg2: memref<10240xf32, #tpu.memory_space<vmem>>, %arg3: memref<10000x128xf32, #tpu.memory_space<vmem>>, %arg4: memref<128x256xf32, #tpu.memory_space<vmem>>, %arg5: memref<1x256xf32, #tpu.memory_space<vmem>>, %arg6: memref<1x256xf32, #tpu.memory_space<vmem>>) attributes {dimension_semantics = [], scalar_prefetch = 0 : i64, scratch_operands = 0 : i64, tpu.core_type = #tpu.core_type<tc>} {
    %get3A = arith.constant 0 : index
    %get3A_0 = arith.constant 0 : index
    %get3A_1 = vector.load %arg0[%get3A, %get3A_0] : memref<32x10240xf32, #tpu.memory_space<vmem>>, vector<32x10240xf32>
    %reduce_sum3A = arith.constant dense<0.000000e+00> : vector<10240xf32>
    %reduce_sum3A_2 = vector.multi_reduction <add>, %get3A_1, %reduce_sum3A [0] : vector<32x10240xf32> to vector<10240xf32>
    %get3A_3 = arith.constant 0 : index
    %get3A_4 = vector.load %arg1[%get3A_3] : memref<10240xf32, #tpu.memory_space<vmem>>, vector<10240xf32>
    %mul3A = arith.mulf %get3A_4, %reduce_sum3A_2 : vector<10240xf32>
    %get3A_5 = arith.constant 0 : index
    %get3A_6 = vector.load %arg2[%get3A_5] : memref<10240xf32, #tpu.memory_space<vmem>>, vector<10240xf32>
    %add3A = arith.addf %mul3A, %get3A_6 : vector<10240xf32>
    %slice3A = vector.extract_strided_slice %add3A {offsets = [0], sizes = [10000], strides = [1]} : vector<10240xf32> to vector<10000xf32>
    %reshape3A = vector.shape_cast %slice3A : vector<10000xf32> to vector<1x10000xf32>
    %get3A_7 = arith.constant 0 : index
    %get3A_8 = arith.constant 0 : index
    %get3A_9 = vector.load %arg3[%get3A_7, %get3A_8] : memref<10000x128xf32, #tpu.memory_space<vmem>>, vector<10000x128xf32>
    %dot_general3A = arith.constant dense<0.000000e+00> : vector<1x128xf32>
    %dot_general3A_10 = tpu.matmul %reshape3A, %get3A_9, %dot_general3A {dimension_numbers = #tpu.dot_dimension_numbers<[1], [0], [0], [1], [0, 0, 1, 1], [], []>, transpose_lhs_hint = false} : vector<1x10000xf32>, vector<10000x128xf32>, vector<1x128xf32> -> vector<1x128xf32>
    %mul3A_11 = arith.constant 9.99999974E-5 : f32
    %mul3A_12 = vector.broadcast %mul3A_11 : f32 to vector<1x128xf32>
    %mul3A_13 = arith.mulf %dot_general3A_10, %mul3A_12 : vector<1x128xf32>
    %get3A_14 = arith.constant 0 : index
    %get3A_15 = arith.constant 0 : index
    %get3A_16 = vector.load %arg4[%get3A_14, %get3A_15] : memref<128x256xf32, #tpu.memory_space<vmem>>, vector<128x256xf32>
    %dot_general3A_17 = arith.constant dense<0.000000e+00> : vector<1x256xf32>
    %dot_general3A_18 = tpu.matmul %mul3A_13, %get3A_16, %dot_general3A_17 {dimension_numbers = #tpu.dot_dimension_numbers<[1], [0], [0], [1], [0, 0, 1, 1], [], []>, transpose_lhs_hint = false} : vector<1x128xf32>, vector<128x256xf32>, vector<1x256xf32> -> vector<1x256xf32>
    %get3A_19 = arith.constant 0 : index
    %get3A_20 = arith.constant 0 : index
    %get3A_21 = vector.load %arg5[%get3A_19, %get3A_20] : memref<1x256xf32, #tpu.memory_space<vmem>>, vector<1x256xf32>
    %add3A_22 = arith.addf %dot_general3A_18, %get3A_21 : vector<1x256xf32>
    %swap3A = arith.constant 0 : index
    %swap3A_23 = arith.constant 0 : index
    %swap3A_24 = vector.load %arg6[%swap3A, %swap3A_23] : memref<1x256xf32, #tpu.memory_space<vmem>>, vector<1x256xf32>
    tpu.vector_store %arg6[%swap3A, %swap3A_23], %add3A_22 {strides = array<i32>} : memref<1x256xf32, #tpu.memory_space<vmem>>, vector<1x256xf32>,
    return
  }
}

</mosaic_0001>

<sc_bundles>
// kernel: kernel.4.cloned.1.call-start
scs
__scs_entry_jumppad:
0x0: {  	(pc) =	sbr.rel $0x88, $3  }
0x1: {  	(tag) =	ssettag $0x0;
	lr =	simm.s32 $0x1  }
0x2: {  	[smem:$0x3F9D] =	sst lr;
	_ =	strace $0xD0000000  }
0x3: {  	_ = 	snop  }
0x4: {  	_ = 	snop  }
0x5: {  	_ = 	snop  }
0x6: {  	_ = 	snop  }
0x7: {  	_ = 	snop  }
__scs_overlays_trampoline_lowered:
0x8: {  	[smem:$0x3FAC] =	sst s0  }
0x9: {  	[smem:$0x3FAD] =	sst s1  }
0xa: {  	[smem:$0x3FAE] =	sst s2  }
0xb: {  	[smem:$0x3FAF] =	sst s3  }
0xc: {  	[smem:$0x3FB0] =	sst s4  }
0xd: {  	[smem:$0x3FB1] =	sst s5  }
0xe: {  	[smem:$0x3FB2] =	sst s6  }
0xf: {  	[smem:$0x3FB3] =	sst s7  }
0x10: {  	[smem:$0x3FB4] =	sst s8  }
0x11: {  	[smem:$0x3FB5] =	sst s9;
	s0 =	simm.s32 @!p0 $0x0  }
0x12: {  	s1 =	sld [smem:$0x3F9B];
	s0 =	simm.s32 @p0 $0x1  }
0x13: {  	[smem:$0x3FB6] =	sst s0;
	s0 =	simm.s32 @!p1 $0x0  }
0x14: {  	s2 =	sld [smem:$0x3F9A];
	s0 =	simm.s32 @p1 $0x1  }
0x15: {  	[smem:$0x3FB7] =	sst s0;
	s0 =	simm.s32 @!p2 $0x0  }
0x16: {  	s3 =	sld [smem:$0x3FDB];
	s0 =	simm.s32 @p2 $0x1  }
0x17: {  	s4 =	simm.s32 $0x1BF5;
	[smem:$0x3FB9] =	sst s0  }
0x18: {  	s0 =	sld [smem:$0x3F9C];
	_ =	swait.ge [sflag:s4], $0x0  }
0x19: {  	s7 =	sld [smem:$0x3F9D]  }
0x1a: {  	s8 =	sadd.s32 $0xFFFFE003, lr  }
0x1b: {  	s9 =	sadd.s32 $0xFFFFFEF7, lr;
	s5 =	simm.s32 $0xFFFFFFFF;
	p2 =	slt.u32 s8, $0xFFFFF086  }
0x1c: {  	p1 =	slt.u32 s9, $0xF7A;
	s5 =	simm.s32 @!p2 $0x0  }
0x1d: {  	s5 =	simm.s32 @p1 $0x1;
	p0 =	seq.s32 s7, s2  }
0x1e: {  	s7 =	smul.u32 @!p0 $0xF7A, s2;
	p2 =	seq.s32 @!p0 s5, $0x0  }
0x1f: {  	s9 =	smul.u32 $0xF7A, s1;
	s8 =	simm.s32 @!p0 $0x1BF5;
	p2 =	por !p2, p0  }
0x20: {  	[sflag:s8] =	ssyncset.s32 @!p0 $0xFFFFF086;
	s6 =	sadd.s32 @!p0 s3, s7;
	s7 =	simm.s32 @!p0 $0x108  }
0x21: {  	s3 =	sadd.s32 s3, s9;
	s6 =	sadd.s32 @!p0 $0x88, s6;
	s7 =	simm.s32 @p2 $0x1082  }
0x22: {  	[simem:s7], [sflag:s8] =	dma.local @!p0 [hbm:s6], $0xF7A  }
0x23: {  	s9 =	sor.u32 $0xD0000000, s2;
	s6 =	simm.s32 $0x108;
	_ =	swait.ge @!p0 [sflag:s8], $0x0  }
0x24: {  	s3 =	sadd.s32 $0x88, s3;
	s6 =	simm.s32 @!p1 $0x1082;
	[sflag:s4] =	ssyncset.s32 $0xFFFFF086  }
0x25: {  	[simem:s6], [sflag:s4] =	dma.local [hbm:s3], $0xF7A  }
0x26: {  	[smem:$0x3F9D] =	sst s1;
	(tag) =	ssettag s2;
	_ =	strace s9  }
0x27: {  	s1 =	sld [smem:$0x3FAD]  }
0x28: {  	s2 =	sld [smem:$0x3FAE]  }
0x29: {  	s4 =	sld [smem:$0x3FB0]  }
0x2a: {  	p0 =	seq.s32 s5, $0x0;
	s5 =	sld [smem:$0x3FB1]  }
0x2b: {  	s6 =	sld [smem:$0x3FB2]  }
0x2c: {  	s7 =	sld [smem:$0x3FB3]  }
0x2d: {  	s3 =	simm.s32 $0x108;
	s8 =	sld [smem:$0x3FB4]  }
0x2e: {  	s3 =	simm.s32 @!p0 $0x1082;
	s9 =	sld [smem:$0x3FB5]  }
0x2f: {  	lr =	sadd.s32 s0, s3;
	s0 =	sld [smem:$0x3FAC]  }
0x30: {  	s3 =	sld [smem:$0x3FAF]  }
0x31: {  	[smem:$0x3FB8] =	sst s10  }
0x32: {  	s10 =	sld [smem:$0x3FB6];
	_ =	sdelay $0x3  }
0x33: {  	p0 =	seq.s32 s10, $0x1;
	s10 =	sld [smem:$0x3FB8];
	_ =	sdelay $0x3  }
0x34: {  	[smem:$0x3FB8] =	sst s10  }
0x35: {  	s10 =	sld [smem:$0x3FB7];
	_ =	sdelay $0x3  }
0x36: {  	p1 =	seq.s32 s10, $0x1;
	s10 =	sld [smem:$0x3FB8];
	_ =	sdelay $0x3  }
0x37: {  	[smem:$0x3FB8] =	sst s10  }
0x38: {  	s10 =	sld [smem:$0x3FB9]  }
0x39: {  	_ = 	snop;
	(pc) =	sbr.ind lr, $3  }
0x3a: {  	_ = 	snop  }
0x3b: {  	_ = 	snop  }
0x3c: {  	p2 =	seq.s32 s10, $0x1;
	s10 =	sld [smem:$0x3FB8]  }
0x3d: {  	_ =	shalt  }
0x3e: {  	_ =	shalt  }
0x3f: {  	_ =	shalt  }
0x40: {  	_ =	shalt  }
0x41: {  	_ =	shalt  }
0x42: {  	_ =	shalt  }
0x43: {  	_ =	shalt  }
0x44: {  	_ =	shalt  }
0x45: {  	_ =	shalt  }
0x46: {  	_ =	shalt  }
0x47: {  	_ =	shalt  }
0x48: {  	_ =	shalt  }
0x49: {  	_ =	shalt  }
0x4a: {  	_ =	shalt  }
0x4b: {  	_ =	shalt  }
0x4c: {  	_ =	shalt  }
0x4d: {  	_ =	shalt  }
0x4e: {  	_ =	shalt  }
0x4f: {  	_ =	shalt  }
0x50: {  	_ =	shalt  }
0x51: {  	_ =	shalt  }
0x52: {  	_ =	shalt  }
0x53: {  	_ =	shalt  }
0x54: {  	_ =	shalt  }
0x55: {  	_ =	shalt  }
0x56: {  	_ =	shalt  }
0x57: {  	_ =	shalt  }
0x58: {  	_ =	shalt  }
0x59: {  	_ =	shalt  }
0x5a: {  	_ =	shalt  }
0x5b: {  	_ =	shalt  }
0x5c: {  	_ =	shalt  }
0x5d: {  	_ =	shalt  }
0x5e: {  	_ =	shalt  }
0x5f: {  	_ =	shalt  }
0x60: {  	_ =	shalt  }
0x61: {  	_ =	shalt  }
0x62: {  	_ =	shalt  }
0x63: {  	_ =	shalt  }
0x64: {  	_ =	shalt  }
0x65: {  	_ =	shalt  }
0x66: {  	_ =	shalt  }
0x67: {  	_ =	shalt  }
0x68: {  	_ =	shalt  }
0x69: {  	_ =	shalt  }
0x6a: {  	_ =	shalt  }
0x6b: {  	_ =	shalt  }
0x6c: {  	_ =	shalt  }
0x6d: {  	_ =	shalt  }
0x6e: {  	_ =	shalt  }
0x6f: {  	_ =	shalt  }
0x70: {  	_ =	shalt  }
0x71: {  	_ =	shalt  }
0x72: {  	_ =	shalt  }
0x73: {  	_ =	shalt  }
0x74: {  	_ =	shalt  }
0x75: {  	_ =	shalt  }
0x76: {  	_ =	shalt  }
0x77: {  	_ =	shalt  }
0x78: {  	_ =	shalt  }
0x79: {  	_ =	shalt  }
0x7a: {  	_ =	shalt  }
0x7b: {  	_ =	shalt  }
0x7c: {  	_ =	shalt  }
0x7d: {  	_ =	shalt  }
0x7e: {  	_ =	shalt  }
0x7f: {  	_ =	shalt  }
0x80: {  	_ =	shalt  }
0x81: {  	_ =	shalt  }
0x82: {  	_ =	shalt  }
0x83: {  	_ =	shalt  }
0x84: {  	_ =	shalt  }
0x85: {  	_ =	shalt  }
0x86: {  	_ =	shalt  }
0x87: {  	_ =	shalt  }
.Lfunc_end0:
.L_simem_size_0:
called_computation_lowered:
.L_overlay_start_0:
0x88: {  	s2 =	sld [smem:$0x3FD9]  }
0x89: {  	s3 =	sld [smem:$0x3FFE];
	_ =	sdelay $0x1  }
0x8a: {  	s1 =	srdreg.scid  }
0x8b: {  	s0 =	sand.u32 $0x1, s1  }
0x8c: {  	s17 =	sshll.u32 s0, $0xA;
	s2 =	sadd.s32 s3, s2  }
0x8d: {  	s2 =	sadd.s32 s2, s17  }
0x8e: {  	[smem:$0x3FC4] =	sst s2  }
0x8f: {  	_ = 	snop  }
0x90: {  	s2 =	sld [smem:$0x3FC8];
	(tm) =	ssettm $0x1  }
0x91: {  	s18 =	sld [smem:$0x3FFB];
	_ =	sdelay $0x3  }
0x92: {  	_ =	strace s18  }
0x93: {  	s3 =	sld [smem:$0x3FFC];
	_ =	sdelay $0x3  }
0x94: {  	_ =	strace s3  }
0x95: {  	s3 =	sld [smem:$0x3FFD];
	_ =	sdelay $0x3  }
0x96: {  	_ =	strace s3  }
0x97: {  	_ =	strace $0x8FFFFFFF  }
0x98: {  	s19 =	sld [smem:$0x3FDB];
	_ =	sdelay $0x1  }
0x99: {  	s4 =	simm.s32 $_scs_section_size  }
0x9a: {  	s5 =	simm.s32 $_size__tile_overlayer_lowered;
	s6 =	simm.s32 $_tile_overlayer_lowered  }
0x9b: {  	s22 =	simm.s32 $0x1BFF;
	s21 =	sshll.u32 s6, $0x1;
	s3 =	sadd.s32 s4, s19  }
0x9c: {  	s7 =	simm.s32 $0x0;
	s20 =	sshll.u32 s5, $0x1;
	s5 =	sadd.s32 s21, s3  }
0x9d: {  	[timem:s7], [sflag:s22] =	dma.local [hbm:s5], s20  }
0x9e: {  	_ =	swait.ge [sflag:s22], s20  }
0x9f: {  	s4 =	ssub.s32 $0x0, s20;
	[sflag:s22] =	ssyncset.done $0x0  }
0xa0: {  	[sflag:s22] =	ssyncadd.s32 s4;
	_ =	sdelay $0x1  }
0xa1: {  	s23 =	simm.s32 $0x1B8B  }
0xa2: {  	_ =	swait.ge [sflag:s23], $0x1  }
0xa3: {  	[sflag:s23] =	ssyncset.done $0x0  }
0xa4: {  	s25 =	simm.s32 $0x1B8E;
	s24 =	sld [smem:$0x3FFE];
	[sflag:s23] =	ssyncadd.s32 $0xFFFFFFFF  }
0xa5: {  	s26 =	simm.s32 $execute0_lowered;
	[smem:$0x3FD2] =	sst s25  }
0xa6: {  	s5 =	sshll.u32 s26, $0x1;
	_ =	strace $0x80000046;
	[dreg:$0x1] =	wrdreg $0xFFFFFFFF  }
0xa7: {  	s28 =	simm.s32 $_size_execute0_lowered;
	s3 =	sadd.s32 s3, s5;
	[dreg:$0x0] =	wrdreg $0x0  }
0xa8: {  	s5 =	sshll.u32 s28, $0x1;
	[dreg:$0x2] =	wrdreg s3  }
0xa9: {  	[dreg:$0x3] =	wrdreg s5  }
0xaa: {  	[dreg:$0x4] =	wrdreg $0xC0  }
0xab: {  	_ =	task [dreg:s7], $0x5FFFF  }
0xac: {  	[dreg:$0x1] =	wrdreg $0xFFFFFFFF  }
0xad: {  	[dreg:$0x0] =	wrdreg $0x60  }
0xae: {  	[dreg:$0x2] =	wrdreg s2  }
0xaf: {  	[dreg:$0x3] =	wrdreg s24  }
0xb0: {  	[dreg:$0x4] =	wrdreg $0x11A000  }
0xb1: {  	[dreg:$0x5] =	wrdreg $0x142000  }
0xb2: {  	[dreg:$0x6] =	wrdreg $0x9  }
0xb3: {  	_ =	task.clear_ibuf [dreg:s7], $0x7FFFF;
	_ =	strace $0x90000046  }
0xb4: {  	s29 =	simm.s32 $0x9;
	_ =	strace $0x80000048  }
0xb5: {  	_ =	swait.ge [sflag:s29], $0x1  }
0xb6: {  	[sflag:s29] =	ssyncadd.s32 $0xFFFFFFFF  }
0xb7: {  	_ =	strace $0x90000048  }
0xb8: {  	_ =	sfence  }
0xb9: {  	s30 =	sld [smem:$0x0];
	_ =	sdelay $0x2  }
0xba: {  	s31 =	sshll.u32 s1, $0xD;
	s1 =	sshrl.u32 s1, $0x2  }
0xbb: {  	s3 =	sand.u32 $0x4000, s31;
	s1 =	sadd.s32 s1, s30  }
0xbc: {  	s0 =	sor.u32 s3, s0;
	s1 =	sshll.u32 s1, $0x11  }
0xbd: {  	s0 =	sor.u32 s1, s0  }
0xbe: {  	s0 =	sadd.s32 $0x8F2B, s0  }
0xbf: {  	[sflag:s0] =	ssyncadd.remote.s32 $0x1  }
0xc0: {  	_ =	sfence.sel $0xFFFF  }
0xc1: {  	[dreg:$0x0] =	wrdreg $0xFFFFFFFF;
	(pc) =	sbr.abs _section_cstart, $3  }
0xc2: {  	[dreg:$0x1] =	wrdreg $0xFFFFFFFF  }
0xc3: {  	_ =	task.clear_ibuf [dreg:s7], $0x2FFFF;
	_ =	strace $0x9FFFFFFF  }
0xc4: {  	(tm) =	ssettm $0x7FFFFFFF  }
0xc5: {  	_ =	shalt  }
tec
execute0_lowered:
.L_overlay_start_1:
0x0: {  	(tag) =	ssettag $0x1  }
0x1: {  	s1 =	rddreg [dreg:$0x0]  }
0x2: {  	s2 =	rddreg [dreg:$0x1]  }
0x3: {  	s4 =	rddreg [dreg:$0x2];
	s0 =	srdreg.scid  }
0x4: {  	s11 =	stileid.u32;
	s12 =	rddreg [dreg:$0x3];
	s28 =	simm.s32 $0x400  }
0x5: {  	s29 =	simm.s32 $0x5;
	s0 =	sand.u32 $0x1, s0;
	s30 =	smul.u32 $0x280, s11  }
0x6: {  	s3 =	sshrl.u32 s11, $0x2;
	s5 =	sshll.u32 s11, $0x8;
	s9 =	smul.u32 $0x1380, s11  }
0x7: {  	s10 =	smul.u32 $0x9C00, s11;
	p0 =	slt.u32 s11, $0x4;
	s14 =	sshll.u32 s11, $0x5  }
0x8: {  	s16 =	sshrl.u32 s11, $0x3;
	s20 =	sshll.u32 s11, $0x7;
	s21 =	smul.u32 $0x5000, s11  }
0x9: {  	s25 =	sand.u32 $0x1, s11;
	s6 =	smul.u32 $0x14000, s3;
	s26 =	sshll.u32 s0, $0x7  }
0xa: {  	s5 =	sand.u32 $0x300, s5;
	s3 =	simm.s32 $0x0;
	s8 =	ssub.s32 $0x2, s0  }
0xb: {  	s17 =	smul.u32 $0x50000, s16;
	s22 =	sand.u32 $0x380, s20;
	p1 =	seq.s32 s0, s25  }
0xc: {  	s20 =	simm.s32 $0x9D00;
	p2 =	sne.s32 s0, $0x0;
	s25 =	simm.s32 $0x4  }
0xd: {  	s5 =	sor.u32 s26, s5;
	[smem:$0x7FF] =	sst s3;
	s7 =	sshrl.u32 s30, $0x3  }
0xe: {  	s31 =	sshrl.u32 s8, $0x1;
	s13 =	sadd.s32 s1, s9;
	s15 =	sshrl.u32 s10, $0x3  }
0xf: {  	s24 =	sshrl.u32 s21, $0x2;
	s26 =	sadd.s32 s30, s12;
	p0 =	por !p0, !p1  }
0x10: {  	s30 =	smul.u32 $0x13800, s0;
	p1 =	sgt.u32 s11, $0x3;
	s5 =	sor.u32 s6, s5  }
0x11: {  	_ =	strace $0x80000047;
	[dreg:$0x5] =	wrdreg s13;
	s9 =	sshrl.u32 s17, $0x2  }
0x12: {  	[dreg:$0xc] =	wrdreg s26;
	p0 =	por !p0, !p0;
	s5 =	sshrl.u32 s5, $0x3  }
0x13: {  	s26 =	simm.s32 $0x80;
	s23 =	sadd.s32 s9, s4;
	s5 =	sadd.s32 s5, s2  }
0x14: {  	s2 =	sadd.s32 s7, s2;
	s7 =	ssub.s32 s8, s31;
	s8 =	sadd.s32 s14, s1  }
0x15: {  	s1 =	sadd.s32 s1, s15;
	s31 =	smul.u32 $0x4E00, s0;
	s8 =	sadd.s32 $0x13800, s8  }
0x16: {  	s18 =	sadd.s32 $0x4E0, s1;
	s19 =	sadd.s32 $0x9C0, s1;
	s1 =	sadd.s32 $0xEA0, s1  }
0x17: {  	s12 =	sadd.s32 $0xB400, s2;
	s13 =	sadd.s32 $0xBA00, s2;
	[dreg:$0x6] =	wrdreg s8  }
0x18: {  	s14 =	sadd.s32 $0x1400, s5;
	s15 =	smax.u32 s7, $0x1;
	[dreg:$0x7] =	wrdreg s18  }
.Ltmp0:
0x19: {  	s2 =	simm.s32 $0xC500;
	[dreg:$0x8] =	wrdreg s19;
	(pc) =	sbr.rel .LBB2_1-.Ltmp0, $4  }
0x1a: {  	[dreg:$0x9] =	wrdreg s1;
	s1 =	sadd.s32 s22, s23;
	s16 =	sor.u32 $0x40, s31  }
0x1b: {  	s19 =	simm.s32 $0x1;
	[dreg:$0xa] =	wrdreg s1;
	s1 =	sadd.s32 s24, s4  }
0x1c: {  	s22 =	simm.s32 $0x2;
	[dreg:$0xb] =	wrdreg s1;
	s1 =	sshrl.u32 s30, $0x2  }
0x1d: {  	v0 =	vimm.f32 $0.0e+00;
	v1 =	vimm.f32 $1.000000000e+00;
	s18 =	simm.s32 $0x0;
	s24 =	simm.s32 $0x3;
	s17 =	sor.u32 $0x80, s1  }
.LBB2_24:
0x1e: {  	_ =	sdelay $0x3  }
0x1f: {  	[tilespmem:v2+s20+$0x0] =	vst.idx.add.f32.msk $0xffff, v3  }
.LBB2_25:
0x20: {  	s18 =	sadd.s32 $0x1, s18  }
0x21: {  	p3 =	sne.s32 s18, s15  }
.Ltmp1:
0x22: {  	_ = 	snop;
	(pc) =	sbr.rel @!p3 .LBB2_26-.Ltmp1, $4  }
0x23: {  	[hbm4b:s14+s26] =	stream.strided.scatter [tilespmem:s20], [sflag:$0x5], $0x2800, s28, s26, $0x38;
	[tilespmem:$0x14480] =	vst v63  }
0x24: {  	_ =	swait.ge [sflag:s29], $0x2800  }
0x25: {  	[sflag:s29] =	ssyncset.done $0x0  }
0x26: {  	[sflag:s29] =	ssyncadd.s32 $0xFFFFD800  }
.LBB2_1:
0x27: {  	s0 =	rddreg [dreg:$0x5]  }
0x28: {  	[tilespmem:s3], [sflag:$0x1] =	stream.linear.gather [hbm4b:s0+s3], $0x2700, $0x38;
	[tilespmem:$0x14480] =	vst v63  }
0x29: {  	s0 =	simm.s32 $0x9D40  }
0x2a: {  	[tilespmem:s0+$0xFFFFFFC0] =	vst v0  }
0x2b: {  	[tilespmem:s0+$0x30] =	vst v0  }
0x2c: {  	[tilespmem:s0+$0x20] =	vst v0  }
0x2d: {  	[tilespmem:s0+$0x10] =	vst v0  }
0x2e: {  	[tilespmem:s0+$0x0] =	vst v0  }
0x2f: {  	[tilespmem:s0+$0xFFFFFFF0] =	vst v0  }
0x30: {  	s1 =	simm.s32 $0x0;
	[tilespmem:s0+$0xFFFFFFE0] =	vst v0  }
.LBB2_2:
0x31: {  	s1 =	sadd.s32 $0x80, s1;
	[tilespmem:s0+$0xFFFFFFD0] =	vst v0;
	s0 =	sadd.s32 $0x80, s0  }
0x32: {  	[tilespmem:s0+$0xFFFFFFC0] =	vst v0;
	p3 =	slt.u32 s1, $0x2780  }
0x33: {  	[tilespmem:s0+$0x30] =	vst v0  }
.Ltmp2:
0x34: {  	[tilespmem:s0+$0x20] =	vst v0;
	(pc) =	sbr.rel @p3 .LBB2_2-.Ltmp2, $4  }
0x35: {  	[tilespmem:s0+$0x10] =	vst v0  }
0x36: {  	[tilespmem:s0+$0x0] =	vst v0  }
0x37: {  	[tilespmem:s0+$0xFFFFFFF0] =	vst v0  }
0x38: {  	[tilespmem:s0+$0xFFFFFFE0] =	vst v0  }
0x39: {  	[tilespmem:s0+$0xFFFFFFD0] =	vst v0  }
0x3a: {  	s0 =	simm.s32 @!p1 $0x0;
	s1 =	simm.s32 @!p1 $0x9C00;
	s4 =	rddreg [dreg:$0x6]  }
0x3b: {  	[tilespmem:s1], [sflag:$0x5] =	stream.linear.gather @!p1 [hbm4b:s4+s0], $0x100, $0x38;
	[tilespmem:$0x14480] =	vst v63  }
0x3c: {  	s0 =	simm.s32 @!p1 $0x5  }
0x3d: {  	_ =	swait.ge @!p1 [sflag:s0], $0x100  }
0x3e: {  	[sflag:s0] =	ssyncset.done @!p1 $0x0  }
0x3f: {  	s31 =	simm.s32 $0x2700;
	s30 =	rddreg [dreg:$0x7];
	[sflag:s0] =	ssyncadd.s32 @!p1 $0xFFFFFF00  }
0x40: {  	[tilespmem:s31], [sflag:$0x2] =	stream.linear.gather [hbm4b:s30+s3], $0x2700, $0x38;
	[tilespmem:$0x14480] =	vst v63  }
0x41: {  	_ =	swait.ge [sflag:s19], $0x2700  }
0x42: {  	[sflag:s19] =	ssyncset.done $0x0  }
0x43: {  	s0 =	simm.s32 $0xF0;
	[sflag:s19] =	ssyncadd.s32 $0xFFFFD900  }
0x44: {  	v3 =	vld [tilespmem:s0+$0xFFFFFF90]  }
0x45: {  	v4 =	vld [tilespmem:s0+$0x0]  }
0x46: {  	v5 =	vld [tilespmem:s0+$0xFFFFFFF0]  }
0x47: {  	v6 =	vld [tilespmem:s0+$0xFFFFFFE0]  }
0x48: {  	v7 =	vld [tilespmem:s0+$0xFFFFFFD0]  }
0x49: {  	v8 =	vld [tilespmem:s0+$0xFFFFFFC0]  }
0x4a: {  	v9 =	vld [tilespmem:s0+$0xFFFFFFB0]  }
0x4b: {  	v2 =	vld [tilespmem:s0+$0xFFFFFFA0]  }
0x4c: {  	[tilespmem:v3+s20+$0x0] =	vst.idx.add.f32.msk $0xffff, v1  }
0x4d: {  	[tilespmem:v4+s20+$0x0] =	vst.idx.add.f32.msk $0xffff, v1  }
0x4e: {  	[tilespmem:v5+s20+$0x0] =	vst.idx.add.f32.msk $0xffff, v1  }
0x4f: {  	[tilespmem:v6+s20+$0x0] =	vst.idx.add.f32.msk $0xffff, v1  }
0x50: {  	[tilespmem:v7+s20+$0x0] =	vst.idx.add.f32.msk $0xffff, v1  }
0x51: {  	[tilespmem:v8+s20+$0x0] =	vst.idx.add.f32.msk $0xffff, v1  }
0x52: {  	s1 =	simm.s32 $0x0;
	[tilespmem:v9+s20+$0x0] =	vst.idx.add.f32.msk $0xffff, v1  }
.LBB2_4:
0x53: {  	s1 =	sadd.s32 $0x80, s1;
	[tilespmem:v2+s20+$0x0] =	vst.idx.add.f32.msk $0xffff, v1;
	s0 =	sadd.s32 $0x100, s0  }
0x54: {  	v3 =	vld [tilespmem:s0+$0xFFFFFF90];
	p3 =	slt.u32 s1, $0x1300  }
0x55: {  	v4 =	vld [tilespmem:s0+$0x0]  }
0x56: {  	v5 =	vld [tilespmem:s0+$0xFFFFFFF0]  }
0x57: {  	v6 =	vld [tilespmem:s0+$0xFFFFFFE0]  }
0x58: {  	v7 =	vld [tilespmem:s0+$0xFFFFFFD0]  }
0x59: {  	v8 =	vld [tilespmem:s0+$0xFFFFFFC0]  }
0x5a: {  	v9 =	vld [tilespmem:s0+$0xFFFFFFB0]  }
0x5b: {  	v2 =	vld [tilespmem:s0+$0xFFFFFFA0]  }
0x5c: {  	[tilespmem:v3+s20+$0x0] =	vst.idx.add.f32.msk $0xffff, v1  }
0x5d: {  	[tilespmem:v4+s20+$0x0] =	vst.idx.add.f32.msk $0xffff, v1  }
.Ltmp3:
0x5e: {  	[tilespmem:v5+s20+$0x0] =	vst.idx.add.f32.msk $0xffff, v1;
	(pc) =	sbr.rel @p3 .LBB2_4-.Ltmp3, $4  }
0x5f: {  	[tilespmem:v6+s20+$0x0] =	vst.idx.add.f32.msk $0xffff, v1  }
0x60: {  	[tilespmem:v7+s20+$0x0] =	vst.idx.add.f32.msk $0xffff, v1  }
0x61: {  	[tilespmem:v8+s20+$0x0] =	vst.idx.add.f32.msk $0xffff, v1  }
0x62: {  	[tilespmem:v9+s20+$0x0] =	vst.idx.add.f32.msk $0xffff, v1  }
0x63: {  	_ =	sdelay $0x3  }
0x64: {  	[tilespmem:v2+s20+$0x0] =	vst.idx.add.f32.msk $0xffff, v1  }
0x65: {  	s1 =	simm.s32 $0x4E00;
	s0 =	rddreg [dreg:$0x8]  }
0x66: {  	[tilespmem:s1], [sflag:$0x3] =	stream.linear.gather [hbm4b:s0+s3], $0x2700, $0x38;
	[tilespmem:$0x14480] =	vst v63  }
0x67: {  	_ =	swait.ge [sflag:s22], $0x2700  }
0x68: {  	[sflag:s22] =	ssyncset.done $0x0  }
0x69: {  	s0 =	simm.s32 $0x27F0;
	[sflag:s22] =	ssyncadd.s32 $0xFFFFD900  }
0x6a: {  	v3 =	vld [tilespmem:s0+$0xFFFFFF90]  }
0x6b: {  	v4 =	vld [tilespmem:s0+$0x0]  }
0x6c: {  	v5 =	vld [tilespmem:s0+$0xFFFFFFF0]  }
0x6d: {  	v6 =	vld [tilespmem:s0+$0xFFFFFFE0]  }
0x6e: {  	v7 =	vld [tilespmem:s0+$0xFFFFFFD0]  }
0x6f: {  	v8 =	vld [tilespmem:s0+$0xFFFFFFC0]  }
0x70: {  	v9 =	vld [tilespmem:s0+$0xFFFFFFB0]  }
0x71: {  	v2 =	vld [tilespmem:s0+$0xFFFFFFA0]  }
0x72: {  	[tilespmem:v3+s20+$0x0] =	vst.idx.add.f32.msk $0xffff, v1  }
0x73: {  	[tilespmem:v4+s20+$0x0] =	vst.idx.add.f32.msk $0xffff, v1  }
0x74: {  	[tilespmem:v5+s20+$0x0] =	vst.idx.add.f32.msk $0xffff, v1  }
0x75: {  	[tilespmem:v6+s20+$0x0] =	vst.idx.add.f32.msk $0xffff, v1  }
0x76: {  	[tilespmem:v7+s20+$0x0] =	vst.idx.add.f32.msk $0xffff, v1  }
0x77: {  	[tilespmem:v8+s20+$0x0] =	vst.idx.add.f32.msk $0xffff, v1  }
0x78: {  	s1 =	simm.s32 $0x1380;
	[tilespmem:v9+s20+$0x0] =	vst.idx.add.f32.msk $0xffff, v1  }
.LBB2_6:
0x79: {  	s1 =	sadd.s32 $0x80, s1;
	[tilespmem:v2+s20+$0x0] =	vst.idx.add.f32.msk $0xffff, v1;
	s0 =	sadd.s32 $0x100, s0  }
0x7a: {  	v3 =	vld [tilespmem:s0+$0xFFFFFF90];
	p3 =	slt.u32 s1, $0x2680  }
0x7b: {  	v4 =	vld [tilespmem:s0+$0x0]  }
0x7c: {  	v5 =	vld [tilespmem:s0+$0xFFFFFFF0]  }
0x7d: {  	v6 =	vld [tilespmem:s0+$0xFFFFFFE0]  }
0x7e: {  	v7 =	vld [tilespmem:s0+$0xFFFFFFD0]  }
0x7f: {  	v8 =	vld [tilespmem:s0+$0xFFFFFFC0]  }
0x80: {  	v9 =	vld [tilespmem:s0+$0xFFFFFFB0]  }
0x81: {  	v2 =	vld [tilespmem:s0+$0xFFFFFFA0]  }
0x82: {  	[tilespmem:v3+s20+$0x0] =	vst.idx.add.f32.msk $0xffff, v1  }
0x83: {  	[tilespmem:v4+s20+$0x0] =	vst.idx.add.f32.msk $0xffff, v1  }
.Ltmp4:
0x84: {  	[tilespmem:v5+s20+$0x0] =	vst.idx.add.f32.msk $0xffff, v1;
	(pc) =	sbr.rel @p3 .LBB2_6-.Ltmp4, $4  }
0x85: {  	[tilespmem:v6+s20+$0x0] =	vst.idx.add.f32.msk $0xffff, v1  }
0x86: {  	[tilespmem:v7+s20+$0x0] =	vst.idx.add.f32.msk $0xffff, v1  }
0x87: {  	[tilespmem:v8+s20+$0x0] =	vst.idx.add.f32.msk $0xffff, v1  }
0x88: {  	[tilespmem:v9+s20+$0x0] =	vst.idx.add.f32.msk $0xffff, v1  }
0x89: {  	_ =	sdelay $0x3  }
0x8a: {  	[tilespmem:v2+s20+$0x0] =	vst.idx.add.f32.msk $0xffff, v1  }
0x8b: {  	s1 =	simm.s32 $0x7500;
	s0 =	rddreg [dreg:$0x9]  }
0x8c: {  	[tilespmem:s1], [sflag:$0x4] =	stream.linear.gather [hbm4b:s0+s3], $0x2700, $0x38;
	[tilespmem:$0x14480] =	vst v63  }
0x8d: {  	_ =	swait.ge [sflag:s24], $0x2700  }
0x8e: {  	[sflag:s24] =	ssyncset.done $0x0  }
0x8f: {  	s0 =	simm.s32 $0x4EF0;
	[sflag:s24] =	ssyncadd.s32 $0xFFFFD900  }
0x90: {  	v3 =	vld [tilespmem:s0+$0xFFFFFF90]  }
0x91: {  	v4 =	vld [tilespmem:s0+$0x0]  }
0x92: {  	v5 =	vld [tilespmem:s0+$0xFFFFFFF0]  }
0x93: {  	v6 =	vld [tilespmem:s0+$0xFFFFFFE0]  }
0x94: {  	v7 =	vld [tilespmem:s0+$0xFFFFFFD0]  }
0x95: {  	v8 =	vld [tilespmem:s0+$0xFFFFFFC0]  }
0x96: {  	v9 =	vld [tilespmem:s0+$0xFFFFFFB0]  }
0x97: {  	v2 =	vld [tilespmem:s0+$0xFFFFFFA0]  }
0x98: {  	[tilespmem:v3+s20+$0x0] =	vst.idx.add.f32.msk $0xffff, v1  }
0x99: {  	[tilespmem:v4+s20+$0x0] =	vst.idx.add.f32.msk $0xffff, v1  }
0x9a: {  	[tilespmem:v5+s20+$0x0] =	vst.idx.add.f32.msk $0xffff, v1  }
0x9b: {  	[tilespmem:v6+s20+$0x0] =	vst.idx.add.f32.msk $0xffff, v1  }
0x9c: {  	[tilespmem:v7+s20+$0x0] =	vst.idx.add.f32.msk $0xffff, v1  }
0x9d: {  	[tilespmem:v8+s20+$0x0] =	vst.idx.add.f32.msk $0xffff, v1  }
0x9e: {  	s1 =	simm.s32 $0x2700;
	[tilespmem:v9+s20+$0x0] =	vst.idx.add.f32.msk $0xffff, v1  }
.LBB2_8:
0x9f: {  	s1 =	sadd.s32 $0x80, s1;
	[tilespmem:v2+s20+$0x0] =	vst.idx.add.f32.msk $0xffff, v1;
	s0 =	sadd.s32 $0x100, s0  }
0xa0: {  	v3 =	vld [tilespmem:s0+$0xFFFFFF90];
	p3 =	slt.u32 s1, $0x3A00  }
0xa1: {  	v4 =	vld [tilespmem:s0+$0x0]  }
0xa2: {  	v5 =	vld [tilespmem:s0+$0xFFFFFFF0]  }
0xa3: {  	v6 =	vld [tilespmem:s0+$0xFFFFFFE0]  }
0xa4: {  	v7 =	vld [tilespmem:s0+$0xFFFFFFD0]  }
0xa5: {  	v8 =	vld [tilespmem:s0+$0xFFFFFFC0]  }
0xa6: {  	v9 =	vld [tilespmem:s0+$0xFFFFFFB0]  }
0xa7: {  	v2 =	vld [tilespmem:s0+$0xFFFFFFA0]  }
0xa8: {  	[tilespmem:v3+s20+$0x0] =	vst.idx.add.f32.msk $0xffff, v1  }
0xa9: {  	[tilespmem:v4+s20+$0x0] =	vst.idx.add.f32.msk $0xffff, v1  }
.Ltmp5:
0xaa: {  	[tilespmem:v5+s20+$0x0] =	vst.idx.add.f32.msk $0xffff, v1;
	(pc) =	sbr.rel @p3 .LBB2_8-.Ltmp5, $4  }
0xab: {  	[tilespmem:v6+s20+$0x0] =	vst.idx.add.f32.msk $0xffff, v1  }
0xac: {  	[tilespmem:v7+s20+$0x0] =	vst.idx.add.f32.msk $0xffff, v1  }
0xad: {  	[tilespmem:v8+s20+$0x0] =	vst.idx.add.f32.msk $0xffff, v1  }
0xae: {  	[tilespmem:v9+s20+$0x0] =	vst.idx.add.f32.msk $0xffff, v1  }
0xaf: {  	_ =	sdelay $0x3  }
0xb0: {  	[tilespmem:v2+s20+$0x0] =	vst.idx.add.f32.msk $0xffff, v1  }
0xb1: {  	_ =	swait.ge [sflag:s25], $0x2700  }
0xb2: {  	[sflag:s25] =	ssyncset.done $0x0  }
0xb3: {  	s0 =	simm.s32 $0x75F0;
	[sflag:s25] =	ssyncadd.s32 $0xFFFFD900  }
0xb4: {  	v3 =	vld [tilespmem:s0+$0xFFFFFF90]  }
0xb5: {  	v4 =	vld [tilespmem:s0+$0x0]  }
0xb6: {  	v5 =	vld [tilespmem:s0+$0xFFFFFFF0]  }
0xb7: {  	v6 =	vld [tilespmem:s0+$0xFFFFFFE0]  }
0xb8: {  	v7 =	vld [tilespmem:s0+$0xFFFFFFD0]  }
0xb9: {  	v8 =	vld [tilespmem:s0+$0xFFFFFFC0]  }
0xba: {  	v9 =	vld [tilespmem:s0+$0xFFFFFFB0]  }
0xbb: {  	v2 =	vld [tilespmem:s0+$0xFFFFFFA0]  }
0xbc: {  	[tilespmem:v3+s20+$0x0] =	vst.idx.add.f32.msk $0xffff, v1  }
0xbd: {  	[tilespmem:v4+s20+$0x0] =	vst.idx.add.f32.msk $0xffff, v1  }
0xbe: {  	[tilespmem:v5+s20+$0x0] =	vst.idx.add.f32.msk $0xffff, v1  }
0xbf: {  	[tilespmem:v6+s20+$0x0] =	vst.idx.add.f32.msk $0xffff, v1  }
0xc0: {  	[tilespmem:v7+s20+$0x0] =	vst.idx.add.f32.msk $0xffff, v1  }
0xc1: {  	[tilespmem:v8+s20+$0x0] =	vst.idx.add.f32.msk $0xffff, v1  }
0xc2: {  	s1 =	simm.s32 $0x3A80;
	[tilespmem:v9+s20+$0x0] =	vst.idx.add.f32.msk $0xffff, v1  }
.LBB2_10:
0xc3: {  	s1 =	sadd.s32 $0x80, s1;
	[tilespmem:v2+s20+$0x0] =	vst.idx.add.f32.msk $0xffff, v1;
	s0 =	sadd.s32 $0x100, s0  }
0xc4: {  	v3 =	vld [tilespmem:s0+$0xFFFFFF90];
	p3 =	slt.u32 s1, $0x4D80  }
0xc5: {  	v4 =	vld [tilespmem:s0+$0x0]  }
0xc6: {  	v5 =	vld [tilespmem:s0+$0xFFFFFFF0]  }
0xc7: {  	v6 =	vld [tilespmem:s0+$0xFFFFFFE0]  }
0xc8: {  	v7 =	vld [tilespmem:s0+$0xFFFFFFD0]  }
0xc9: {  	v8 =	vld [tilespmem:s0+$0xFFFFFFC0]  }
0xca: {  	v9 =	vld [tilespmem:s0+$0xFFFFFFB0]  }
0xcb: {  	v2 =	vld [tilespmem:s0+$0xFFFFFFA0]  }
0xcc: {  	[tilespmem:v3+s20+$0x0] =	vst.idx.add.f32.msk $0xffff, v1  }
0xcd: {  	[tilespmem:v4+s20+$0x0] =	vst.idx.add.f32.msk $0xffff, v1  }
.Ltmp6:
0xce: {  	[tilespmem:v5+s20+$0x0] =	vst.idx.add.f32.msk $0xffff, v1;
	(pc) =	sbr.rel @p3 .LBB2_10-.Ltmp6, $4  }
0xcf: {  	[tilespmem:v6+s20+$0x0] =	vst.idx.add.f32.msk $0xffff, v1  }
0xd0: {  	[tilespmem:v7+s20+$0x0] =	vst.idx.add.f32.msk $0xffff, v1  }
0xd1: {  	[tilespmem:v8+s20+$0x0] =	vst.idx.add.f32.msk $0xffff, v1  }
0xd2: {  	[tilespmem:v9+s20+$0x0] =	vst.idx.add.f32.msk $0xffff, v1  }
.Ltmp7:
0xd3: {  	_ = 	snop;
	(pc) =	sbr.rel @p1 .LBB2_15-.Ltmp7, $2  }
0xd4: {  	_ =	sdelay $0x2  }
0xd5: {  	[tilespmem:v2+s20+$0x0] =	vst.idx.add.f32.msk $0xffff, v1  }
0xd6: {  	s0 =	simm.s32 $0x9C80  }
0xd7: {  	v2 =	vld [tilespmem:s0+$0x0]  }
0xd8: {  	s0 =	simm.s32 $0x9C90  }
0xd9: {  	s1 =	simm.s32 $0x10;
	v3 =	vld [tilespmem:s0+$0x0]  }
.LBB2_13:
0xda: {  	s1 =	sadd.s32 $0x10, s1  }
0xdb: {  	p3 =	slt.u32 s1, $0x70  }
.Ltmp8:
0xdc: {  	_ = 	snop;
	(pc) =	sbr.rel @p3 .LBB2_13-.Ltmp8, $3  }
0xdd: {  	_ =	sdelay $0x1  }
0xde: {  	s0 =	sadd.s32 $0x10, s0;
	[tilespmem:v2+s20+$0x0] =	vst.idx.add.f32.msk $0xffff, v1;
	v2 =	vmov v3  }
0xdf: {  	v3 =	vld [tilespmem:s0+$0x0]  }
0xe0: {  	_ =	sdelay $0x6  }
0xe1: {  	[tilespmem:v2+s20+$0x0] =	vst.idx.add.f32.msk $0xffff, v1  }
0xe2: {  	[tilespmem:v3+s20+$0x0] =	vst.idx.add.f32.msk $0xffff, v1  }
.LBB2_15:
0xe3: {  	s0 =	rddreg [dreg:$0xa]  }
0xe4: {  	[spmem:s0] =	stream.strided.scatter [tilespmem:s20], [sflag:$0x5], $0x2800, s28, s26, $0x38;
	[tilespmem:$0x14480] =	vst v63  }
0xe5: {  	_ =	swait.ge [sflag:s29], $0x2800  }
0xe6: {  	[sflag:s29] =	ssyncset.done $0x0  }
0xe7: {  	[sflag:s29] =	ssyncadd.s32 $0xFFFFD800  }
0xe8: {  	s1 =	simm.s32 $0x1400;
	[bflag:$0x0] =	sbarrier.arrive $0xFFFF  }
0xe9: {  	s4 =	simm.s32 $0x14000;
	s5 =	simm.s32 $0xED00;
	s8 =	rddreg [dreg:$0xb]  }
0xea: {  	[tilespmem:s5], [sflag:$0x5] =	stream.strided.gather [spmem:s8], $0x2800, s4, s1, $0x38;
	[tilespmem:$0x14480] =	vst v63  }
0xeb: {  	s9 =	simm.s32 $0x0;
	s4 =	simm.s32 $0x0  }
0xec: {  	s0 =	sand.u32 $0x1C00, s9;
	_ =	swait.ge [sflag:s29], $0x2800;
	s1 =	sand.u32 $0x60, s4  }
0xed: {  	s6 =	sadd.s32 $0xED00, s0;
	[sflag:s29] =	ssyncset.done $0x0;
	s5 =	sor.u32 $0x10, s1  }
0xee: {  	[sflag:s29] =	ssyncadd.s32 $0xFFFFD800;
	s7 =	sor.u32 s5, s6  }
0xef: {  	v2 =	vld [tilespmem:s7+$0x0]  }
0xf0: {  	s6 =	sor.u32 s1, s6;
	v3 =	vld [tilespmem:s7+$0x80]  }
0xf1: {  	v4 =	vld [tilespmem:s6+$0x0]  }
0xf2: {  	v5 =	vld [tilespmem:s7+$0x100]  }
0xf3: {  	v6 =	vld [tilespmem:s6+$0x80]  }
0xf4: {  	v7 =	vld [tilespmem:s7+$0x180]  }
0xf5: {  	v8 =	vld [tilespmem:s6+$0x100]  }
0xf6: {  	v9 =	vld [tilespmem:s7+$0x200]  }
0xf7: {  	v10 =	vld [tilespmem:s6+$0x180]  }
0xf8: {  	v11 =	vld [tilespmem:s7+$0x280]  }
0xf9: {  	v12 =	vld [tilespmem:s6+$0x200]  }
0xfa: {  	v13 =	vld [tilespmem:s7+$0x300]  }
0xfb: {  	v14 =	vld [tilespmem:s6+$0x280]  }
0xfc: {  	s8 =	sor.u32 $0x10100, s0;
	v15 =	vld [tilespmem:s7+$0x380]  }
0xfd: {  	s10 =	sor.u32 s5, s8;
	v16 =	vld [tilespmem:s6+$0x300]  }
0xfe: {  	s9 =	sor.u32 $0x10180, s0;
	v17 =	vld [tilespmem:s10+$0x0]  }
0xff: {  	s11 =	sor.u32 s5, s9;
	v18 =	vld [tilespmem:s6+$0x380]  }
0x100: {  	s21 =	sor.u32 s1, s8;
	v19 =	vld [tilespmem:s11+$0x0]  }
0x101: {  	s23 =	sor.u32 $0x10200, s0;
	s9 =	sor.u32 s1, s9;
	v20 =	vld [tilespmem:s21+$0x0]  }
0x102: {  	s7 =	sor.u32 s5, s23;
	v22 =	vld [tilespmem:s9+$0x0]  }
0x103: {  	s10 =	sor.u32 $0x10280, s0;
	s21 =	sor.u32 s1, s23;
	v21 =	vld [tilespmem:s7+$0x0]  }
0x104: {  	s23 =	sor.u32 $0x10300, s0;
	s11 =	sor.u32 s5, s10;
	v24 =	vld [tilespmem:s21+$0x0]  }
0x105: {  	s7 =	sor.u32 s5, s23;
	v23 =	vld [tilespmem:s11+$0x0]  }
0x106: {  	s10 =	sor.u32 s1, s10;
	v25 =	vld [tilespmem:s7+$0x0]  }
0x107: {  	s23 =	sor.u32 s1, s23;
	s11 =	sor.u32 $0x10380, s0;
	v26 =	vld [tilespmem:s10+$0x0]  }
0x108: {  	s8 =	sadd.s32 $0x10400, s0;
	v27 =	vld [tilespmem:s23+$0x0];
	s21 =	sor.u32 s5, s11  }
0x109: {  	s7 =	sor.u32 s5, s8;
	s9 =	sor.u32 s1, s11;
	v2 =	vadd.f32 v3, v2;
	v3 =	vld [tilespmem:s21+$0x0]  }
0x10a: {  	s10 =	sadd.s32 $0x10480, s0;
	s23 =	simm.s32 $0x100;
	v4 =	vadd.f32 v6, v4;
	s21 =	simm.s32 $0x20;
	v6 =	vld [tilespmem:s9+$0x0]  }
0x10b: {  	s8 =	sor.u32 s1, s8;
	s0 =	sand.u32 $0x1C00, s23;
	v2 =	vadd.f32 v5, v2;
	v5 =	vld [tilespmem:s7+$0x0];
	s7 =	sand.u32 $0x60, s21  }
0x10c: {  	s11 =	sor.u32 s5, s10;
	s9 =	sadd.s32 $0xED00, s0;
	v4 =	vadd.f32 v8, v4;
	v8 =	vld [tilespmem:s8+$0x0];
	s23 =	sor.u32 $0x10, s7  }
0x10d: {  	s1 =	sor.u32 s1, s10;
	v2 =	vadd.f32 v7, v2;
	v7 =	vld [tilespmem:s11+$0x0];
	s10 =	sor.u32 s23, s9  }
0x10e: {  	v4 =	vadd.f32 v10, v4;
	v10 =	vld [tilespmem:s10+$0x0]  }
0x10f: {  	s11 =	sor.u32 s7, s9;
	v44 =	vld [tilespmem:s10+$0x200];
	v2 =	vadd.f32 v9, v2  }
0x110: {  	v45 =	vld [tilespmem:s11+$0x280];
	v4 =	vadd.f32 v12, v4  }
0x111: {  	v2 =	vadd.f32 v11, v2;
	v11 =	vld [tilespmem:s10+$0x80]  }
0x112: {  	v12 =	vld [tilespmem:s11+$0x0];
	v4 =	vadd.f32 v14, v4  }
0x113: {  	v2 =	vadd.f32 v13, v2;
	v13 =	vld [tilespmem:s10+$0x100]  }
0x114: {  	v14 =	vld [tilespmem:s11+$0x80];
	v4 =	vadd.f32 v16, v4  }
0x115: {  	v2 =	vadd.f32 v15, v2;
	v15 =	vld [tilespmem:s10+$0x180]  }
0x116: {  	v4 =	vadd.f32 v18, v4;
	v10 =	vadd.f32 v11, v10;
	v11 =	vld [tilespmem:s11+$0x100]  }
0x117: {  	v46 =	vld [tilespmem:s11+$0x300];
	v2 =	vadd.f32 v17, v2  }
0x118: {  	v4 =	vadd.f32 v20, v4;
	v10 =	vadd.f32 v13, v10;
	v13 =	vld [tilespmem:s11+$0x180]  }
0x119: {  	v12 =	vadd.f32 v14, v12;
	v14 =	vld [tilespmem:s10+$0x280];
	v2 =	vadd.f32 v19, v2  }
0x11a: {  	v4 =	vadd.f32 v22, v4;
	v10 =	vadd.f32 v15, v10;
	v15 =	vld [tilespmem:s11+$0x200]  }
0x11b: {  	v2 =	vadd.f32 v21, v2;
	v11 =	vadd.f32 v11, v12;
	v12 =	vld [tilespmem:s10+$0x300]  }
0x11c: {  	s6 =	sor.u32 $0x10100, s0;
	v9 =	vld [tilespmem:s1+$0x0];
	v4 =	vadd.f32 v24, v4;
	v10 =	vadd.f32 v44, v10  }
0x11d: {  	v2 =	vadd.f32 v23, v2;
	v11 =	vadd.f32 v13, v11;
	v13 =	vld [tilespmem:s10+$0x380];
	s10 =	sor.u32 s23, s6  }
0x11e: {  	v4 =	vadd.f32 v26, v4;
	v10 =	vadd.f32 v14, v10;
	v14 =	vld [tilespmem:s10+$0x0]  }
0x11f: {  	s9 =	sor.u32 $0x10180, s0;
	s6 =	sor.u32 s7, s6;
	v2 =	vadd.f32 v25, v2;
	v11 =	vadd.f32 v15, v11;
	v15 =	vld [tilespmem:s11+$0x380]  }
0x120: {  	s11 =	sor.u32 s23, s9;
	v4 =	vadd.f32 v27, v4;
	v10 =	vadd.f32 v12, v10;
	v12 =	vld [tilespmem:s6+$0x0]  }
0x121: {  	s8 =	sor.u32 $0x10200, s0;
	v2 =	vadd.f32 v3, v2;
	v3 =	vadd.f32 v45, v11;
	v11 =	vld [tilespmem:s11+$0x0];
	s11 =	sor.u32 s7, s9  }
0x122: {  	s10 =	sor.u32 s23, s8;
	v4 =	vadd.f32 v6, v4;
	v10 =	vadd.f32 v13, v10;
	v6 =	vld [tilespmem:s11+$0x0]  }
0x123: {  	s9 =	sor.u32 $0x10280, s0;
	s11 =	sor.u32 s7, s8;
	v2 =	vadd.f32 v5, v2;
	v3 =	vadd.f32 v46, v3;
	v5 =	vld [tilespmem:s10+$0x0]  }
0x124: {  	s10 =	sor.u32 s23, s9;
	v4 =	vadd.f32 v8, v4;
	v8 =	vld [tilespmem:s11+$0x0];
	v10 =	vadd.f32 v14, v10  }
0x125: {  	s8 =	sor.u32 $0x10300, s0;
	s11 =	sor.u32 s7, s9;
	v2 =	vadd.f32 v7, v2;
	v3 =	vadd.f32 v15, v3;
	v7 =	vld [tilespmem:s10+$0x0]  }
0x126: {  	s10 =	sor.u32 s23, s8;
	v4 =	vadd.f32 v9, v4;
	v9 =	vld [tilespmem:s11+$0x0];
	v10 =	vadd.f32 v11, v10  }
0x127: {  	s9 =	sor.u32 $0x10380, s0;
	s11 =	sor.u32 s7, s8;
	v11 =	vld [tilespmem:s10+$0x0];
	v3 =	vadd.f32 v12, v3  }
0x128: {  	s8 =	sadd.s32 $0x10400, s0;
	s10 =	sor.u32 s23, s9;
	v13 =	vld [tilespmem:s11+$0x0];
	v2 =	vadd.f32 $1.000000000e+00, v2;
	v5 =	vadd.f32 v5, v10  }
0x129: {  	s31 =	simm.s32 $0x40;
	s6 =	sor.u32 s23, s8;
	s8 =	sor.u32 s7, s8;
	v3 =	vadd.f32 v6, v3;
	v6 =	vld [tilespmem:s10+$0x0]  }
0x12a: {  	s1 =	sand.u32 $0x60, s31;
	s11 =	sadd.s32 $0x10480, s0;
	s0 =	simm.s32 $0x200;
	v47 =	vld [tilespmem:s8+$0x0];
	v10 =	vmul.f32 $5.000000000e-01, v2;
	v12 =	vshrl.u32 v2, $0x1;
	v5 =	vadd.f32 v7, v5  }
0x12b: {  	s30 =	sor.u32 $0x10, s1;
	v4 =	vadd.f32 $1.000000000e+00, v4;
	s10 =	sor.u32 s7, s9;
	v12 =	vsub.s32 $0x5F3759DF, v12;
	v3 =	vadd.f32 v8, v3;
	v8 =	vld [tilespmem:s6+$0x0];
	s6 =	sand.u32 $0x1C00, s0  }
0x12c: {  	s7 =	sor.u32 s7, s11;
	v15 =	vld [tilespmem:s10+$0x0];
	s10 =	sor.u32 s23, s11;
	v7 =	vmul.f32 v12, v10;
	v5 =	vadd.f32 v11, v5;
	s11 =	sadd.s32 $0xED00, s6  }
0x12d: {  	v14 =	vmul.f32 $5.000000000e-01, v4;
	v11 =	vshrl.u32 v4, $0x1;
	v3 =	vadd.f32 v9, v3;
	v9 =	vld [tilespmem:s10+$0x0];
	s10 =	sor.u32 s30, s11  }
0x12e: {  	v7 =	vmul.f32 v12, v7;
	v11 =	vsub.s32 $0x5F3759DF, v11;
	v5 =	vadd.f32 v6, v5;
	v48 =	vld [tilespmem:s10+$0x0]  }
0x12f: {  	v6 =	vmul.f32 v11, v14;
	v3 =	vadd.f32 v13, v3;
	v13 =	vld [tilespmem:s7+$0x0]  }
0x130: {  	v7 =	vsub.f32 $1.500000000e+00, v7;
	s7 =	sor.u32 s1, s11;
	v5 =	vadd.f32 v8, v5;
	v8 =	vld [tilespmem:s10+$0x80]  }
0x131: {  	(erf) = vrcp.f32 v2;
	v6 =	vmul.f32 v11, v6;
	v2 =	vld [tilespmem:s7+$0x0]  }
0x132: {  	(erf) = vrcp.f32 v4;
	v4 =	vld [tilespmem:s7+$0x80];
	v7 =	vmul.f32 v12, v7;
	v3 =	vadd.f32 v15, v3  }
0x133: {  	v5 =	vadd.f32 v9, v5;
	v6 =	vsub.f32 $1.500000000e+00, v6  }
0x134: {  	v12 =	vld [tilespmem:s10+$0x100];
	v9 =	vmul.f32 v7, v10;
	v3 =	vadd.f32 v47, v3  }
0x135: {  	v5 =	vadd.f32 $1.000000000e+00, v5;
	v6 =	vmul.f32 v11, v6  }
0x136: {  	v11 =	vld [tilespmem:s10+$0x180];
	v9 =	vmul.f32 v9, v7;
	v3 =	vadd.f32 v13, v3;
	v8 =	vadd.f32 v8, v48  }
0x137: {  	v13 =	vld [tilespmem:s7+$0x100];
	v2 =	vadd.f32 v4, v2;
	v15 =	vmul.f32 $5.000000000e-01, v5;
	v49 =	vshrl.u32 v5, $0x1  }
0x138: {  	v51 =	vld [tilespmem:s10+$0x200];
	v50 =	vmul.f32 v6, v14;
	v3 =	vadd.f32 $1.000000000e+00, v3;
	v16 =	vsub.s32 $0x5F3759DF, v49  }
0x139: {  	v52 =	vld [tilespmem:s7+$0x180];
	v9 =	vsub.f32 $1.500000000e+00, v9;
	v8 =	vadd.f32 v12, v8;
	v12 =	vmul.f32 v16, v15  }
0x13a: {  	v4 =	vld [tilespmem:s10+$0x280];
	v17 =	vmul.f32 v50, v6;
	v53 =	vmul.f32 $5.000000000e-01, v3;
	v54 =	vshrl.u32 v3, $0x1  }
0x13b: {  	v55 =	vld [tilespmem:s7+$0x200];
	v8 =	vadd.f32 v11, v8;
	v7 =	vmul.f32 v9, v7;
	v11 =	vsub.s32 $0x5F3759DF, v54  }
0x13c: {  	v12 =	vmul.f32 v16, v12;
	v2 =	vadd.f32 v13, v2;
	v13 =	vld [tilespmem:s10+$0x300];
	v9 =	vsub.f32 $1.500000000e+00, v17  }
0x13d: {  	v56 =	vld [tilespmem:s7+$0x280];
	v21 =	vmul.f32 v11, v53;
	v8 =	vadd.f32 v51, v8  }
0x13e: {  	s9 =	sor.u32 $0x10100, s6;
	v57 =	vld [tilespmem:s10+$0x380];
	v12 =	vsub.f32 $1.500000000e+00, v12;
	v2 =	vadd.f32 v52, v2;
	v9 =	vmul.f32 v9, v6  }
0x13f: {  	s11 =	sor.u32 s30, s9;
	v6 =	vmul.f32 v7, v10;
	v58 =	vmul.f32 v11, v21;
	v4 =	vadd.f32 v4, v8;
	v8 =	vld [tilespmem:s7+$0x300]  }
0x140: {  	(erf) = vrcp.f32 v5;
	s10 =	sor.u32 $0x10180, s6;
	v10 =	vmul.f32 v16, v12;
	v2 =	vadd.f32 v55, v2;
	v12 =	vld [tilespmem:s11+$0x0]  }
0x141: {  	s8 =	sor.u32 s30, s10;
	v5 =	vmul.f32 v6, v7;
	v6 =	vld [tilespmem:s7+$0x380];
	v59 =	vsub.f32 $1.500000000e+00, v58;
	v4 =	vadd.f32 v13, v4  }
0x142: {  	(erf) = vrcp.f32 v3;
	v60 =	vld [tilespmem:s8+$0x0];
	s11 =	sor.u32 s1, s9;
	v2 =	vadd.f32 v56, v2;
	v13 =	vmul.f32 v10, v15  }
0x143: {  	s9 =	sor.u32 $0x10200, s6;
	v14 =	vmul.f32 v9, v14;
	v3 =	vld [tilespmem:s11+$0x0];
	v11 =	vmul.f32 v11, v59;
	v4 =	vadd.f32 v57, v4  }
0x144: {  	s8 =	sor.u32 s30, s9;
	v5 =	vsub.f32 $1.500000000e+00, v5;
	v13 =	vmul.f32 v13, v10;
	v2 =	vadd.f32 v8, v2  }
0x145: {  	s11 =	sor.u32 s1, s10;
	s10 =	sor.u32 $0x10280, s6;
	v14 =	vmul.f32 v14, v9;
	v8 =	vld [tilespmem:s8+$0x0];
	v61 =	vmul.f32 v11, v53;
	v4 =	vadd.f32 v12, v4  }
0x146: {  	s8 =	sor.u32 s30, s10;
	v5 =	vmul.f32 v5, v7;
	v12 =	vld [tilespmem:s11+$0x0];
	v13 =	vsub.f32 $1.500000000e+00, v13;
	v2 =	vadd.f32 v6, v2  }
0x147: {  	v7 =	vsub.f32 $1.500000000e+00, v14;
	s11 =	sor.u32 s1, s9;
	s9 =	sor.u32 $0x10300, s6;
	v62 =	vld [tilespmem:s8+$0x0];
	v17 =	vmul.f32 v61, v11;
	v14 =	vadd.f32 v60, v4  }
0x148: {  	s4 =	sand.u32 $0x380, s4;
	v63 =	vld [tilespmem:s11+$0x0];
	s7 =	sor.u32 s30, s9;
	v4 =	vmul.f32 v13, v10;
	v2 =	vadd.f32 v3, v2  }
0x149: {  	s5 =	sor.u32 s4, s5;
	s8 =	sor.u32 $0x10380, s6;
	s11 =	sor.u32 s1, s10;
	v6 =	vld [tilespmem:s7+$0x0];
	v10 =	vpop (erf);
	v3 =	vsub.f32 $1.500000000e+00, v17  }
0x14a: {  	s7 =	sor.u32 s30, s8;
	v13 =	vmul.f32 v7, v9;
	v7 =	vld [tilespmem:s11+$0x0];
	v8 =	vadd.f32 v8, v14;
	[tilespmem:s5+$0x11780] =	vst v10;
	v10 =	vmul.f32 v4, v15  }
0x14b: {  	s4 =	simm.s32 $0x11500;
	[tilespmem:s5+$0x11500] =	vst v5;
	s10 =	sor.u32 s1, s9;
	s11 =	sadd.s32 $0x10400, s6;
	v9 =	vld [tilespmem:s7+$0x0];
	v12 =	vadd.f32 v12, v2;
	v14 =	vpop (erf);
	v5 =	vmul.f32 v3, v11  }
0x14c: {  	s9 =	sor.u32 s1, s8;
	s5 =	simm.s32 $0x11780;
	s7 =	sor.u32 s30, s11;
	[tilespmem:s4+$0x0] =	vst v13;
	v11 =	vld [tilespmem:s10+$0x0];
	v13 =	vadd.f32 v62, v8;
	v2 =	vpop (erf);
	v8 =	vmul.f32 v10, v4  }
0x14d: {  	s8 =	sor.u32 s1, s11;
	s10 =	sadd.s32 $0x10480, s6;
	s6 =	simm.s32 $0x40;
	[tilespmem:s5+$0x0] =	vst v14;
	v14 =	vadd.f32 v63, v12;
	v12 =	vld [tilespmem:s7+$0x0];
	v3 =	vpop (erf);
	v10 =	vmul.f32 v5, v53  }
.LBB2_16:
0x14e: {  	s31 =	sadd.s32 $0x20, s31;
	v15 =	vld [tilespmem:s9+$0x0];
	v6 =	vadd.f32 v6, v13;
	s9 =	sor.u32 s30, s10;
	s0 =	sadd.s32 $0x100, s0;
	v8 =	vsub.f32 $1.500000000e+00, v8  }
0x14f: {  	s10 =	sor.u32 s1, s10;
	s7 =	sand.u32 $0x1C00, s0;
	v7 =	vadd.f32 v7, v14;
	s1 =	sand.u32 $0x60, s31;
	v13 =	vld [tilespmem:s9+$0x0];
	v10 =	vmul.f32 v10, v5  }
0x150: {  	s21 =	sand.u32 $0x380, s21;
	s9 =	sadd.s32 $0xED00, s7;
	s11 =	sor.u32 $0x10, s1;
	v14 =	vld [tilespmem:s8+$0x0];
	v6 =	vadd.f32 v9, v6;
	v4 =	vmul.f32 v8, v4  }
0x151: {  	s8 =	sor.u32 s1, s9;
	s9 =	sor.u32 s11, s9;
	v7 =	vadd.f32 v11, v7;
	v8 =	vld [tilespmem:s10+$0x0];
	v9 =	vsub.f32 $1.500000000e+00, v10;
	s10 =	sor.u32 s21, s23  }
0x152: {  	p3 =	slt.u32 s31, $0x260;
	s21 =	smov.u32 s6;
	s6 =	smov.u32 s31;
	v10 =	vld [tilespmem:s9+$0x0];
	v6 =	vadd.f32 v12, v6;
	[tilespmem:s10+$0x11500] =	vst v4  }
0x153: {  	s23 =	smov.u32 s30;
	s30 =	smov.u32 s11;
	v4 =	vld [tilespmem:s9+$0x80];
	v7 =	vadd.f32 v15, v7;
	v5 =	vmul.f32 v9, v5;
	[tilespmem:s10+$0x11780] =	vst v2  }
0x154: {  	s4 =	sadd.s32 $0x20, s4;
	v2 =	vld [tilespmem:s8+$0x0];
	v6 =	vadd.f32 v13, v6  }
0x155: {  	s5 =	sadd.s32 $0x20, s5;
	v9 =	vld [tilespmem:s9+$0x100];
	v7 =	vadd.f32 v14, v7;
	[tilespmem:s4+$0x0] =	vst v5  }
0x156: {  	v5 =	vld [tilespmem:s8+$0x80];
	v6 =	vadd.f32 $1.000000000e+00, v6;
	[tilespmem:s5+$0x0] =	vst v3  }
0x157: {  	v3 =	vld [tilespmem:s9+$0x180];
	v7 =	vadd.f32 v8, v7  }
0x158: {  	v8 =	vld [tilespmem:s8+$0x100];
	v4 =	vadd.f32 v4, v10;
	v10 =	vmul.f32 $5.000000000e-01, v6;
	v11 =	vshrl.u32 v6, $0x1  }
0x159: {  	v12 =	vld [tilespmem:s9+$0x200];
	v7 =	vadd.f32 $1.000000000e+00, v7;
	v11 =	vsub.s32 $0x5F3759DF, v11;
	(erf) = vrcp.f32 v6  }
0x15a: {  	v6 =	vld [tilespmem:s8+$0x180];
	v4 =	vadd.f32 v9, v4;
	v9 =	vmul.f32 v11, v10  }
0x15b: {  	v2 =	vadd.f32 v5, v2;
	v5 =	vld [tilespmem:s9+$0x280];
	v15 =	vmul.f32 $5.000000000e-01, v7;
	v13 =	vshrl.u32 v7, $0x1  }
0x15c: {  	v14 =	vld [tilespmem:s8+$0x200];
	v3 =	vadd.f32 v3, v4;
	v4 =	vsub.s32 $0x5F3759DF, v13;
	v9 =	vmul.f32 v11, v9  }
0x15d: {  	v2 =	vadd.f32 v8, v2;
	v8 =	vld [tilespmem:s9+$0x300];
	v13 =	vmul.f32 v4, v15;
	(erf) = vrcp.f32 v7  }
0x15e: {  	v7 =	vld [tilespmem:s8+$0x280];
	v3 =	vadd.f32 v12, v3;
	v9 =	vsub.f32 $1.500000000e+00, v9  }
0x15f: {  	s10 =	sor.u32 $0x10100, s7;
	v16 =	vadd.f32 v6, v2;
	v6 =	vld [tilespmem:s9+$0x380];
	v12 =	vmul.f32 v4, v13  }
0x160: {  	s9 =	sor.u32 s1, s10;
	s10 =	sor.u32 s30, s10;
	v13 =	vld [tilespmem:s8+$0x300];
	v3 =	vadd.f32 v5, v3;
	v5 =	vmul.f32 v11, v9  }
0x161: {  	s11 =	sor.u32 $0x10180, s7;
	v9 =	vadd.f32 v14, v16;
	v11 =	vld [tilespmem:s10+$0x0];
	v12 =	vsub.f32 $1.500000000e+00, v12  }
0x162: {  	s10 =	sor.u32 s30, s11;
	v14 =	vld [tilespmem:s8+$0x380];
	s8 =	sor.u32 s1, s11;
	v3 =	vadd.f32 v8, v3;
	v8 =	vmul.f32 v5, v10;
	v2 =	vpop (erf)  }
0x163: {  	s11 =	sor.u32 $0x10200, s7;
	v7 =	vadd.f32 v7, v9;
	v9 =	vld [tilespmem:s10+$0x0];
	v12 =	vmul.f32 v4, v12  }
0x164: {  	s10 =	sor.u32 s30, s11;
	v16 =	vld [tilespmem:s9+$0x0];
	s9 =	sor.u32 s1, s11;
	v17 =	vadd.f32 v6, v3;
	v4 =	vmul.f32 v8, v5  }
0x165: {  	s11 =	sor.u32 $0x10280, s7;
	v6 =	vadd.f32 v13, v7;
	v8 =	vld [tilespmem:s10+$0x0];
	v7 =	vmul.f32 v12, v15  }
0x166: {  	s10 =	sor.u32 s30, s11;
	v13 =	vld [tilespmem:s8+$0x0];
	s8 =	sor.u32 s1, s11;
	v11 =	vadd.f32 v11, v17;
	v4 =	vsub.f32 $1.500000000e+00, v4;
	v3 =	vpop (erf)  }
0x167: {  	s11 =	sor.u32 $0x10300, s7;
	v6 =	vadd.f32 v14, v6;
	v14 =	vld [tilespmem:s10+$0x0];
	v7 =	vmul.f32 v7, v12  }
0x168: {  	s10 =	sor.u32 s1, s11;
	v17 =	vld [tilespmem:s9+$0x0];
	v9 =	vadd.f32 v9, v11;
	s9 =	sor.u32 s30, s11;
	v4 =	vmul.f32 v4, v5  }
.Ltmp9:
0x169: {  	s11 =	sor.u32 $0x10380, s7;
	v5 =	vadd.f32 v16, v6;
	v6 =	vld [tilespmem:s9+$0x0];
	v11 =	vsub.f32 $1.500000000e+00, v7;
	(pc) =	sbr.rel @p3 .LBB2_16-.Ltmp9, $4  }
0x16a: {  	s9 =	sor.u32 s1, s11;
	v7 =	vld [tilespmem:s8+$0x0];
	v8 =	vadd.f32 v8, v9;
	s8 =	sor.u32 s30, s11;
	v10 =	vmul.f32 v4, v10  }
0x16b: {  	s11 =	sadd.s32 $0x10400, s7;
	v16 =	vadd.f32 v13, v5;
	v9 =	vld [tilespmem:s8+$0x0];
	v5 =	vmul.f32 v11, v12  }
0x16c: {  	s8 =	sor.u32 s1, s11;
	s11 =	sor.u32 s30, s11;
	v11 =	vld [tilespmem:s10+$0x0];
	v13 =	vadd.f32 v14, v8;
	v8 =	vmul.f32 v10, v4  }
0x16d: {  	s10 =	sadd.s32 $0x10480, s7;
	v14 =	vadd.f32 v17, v16;
	v12 =	vld [tilespmem:s11+$0x0];
	v10 =	vmul.f32 v5, v15  }
0x16e: {  	v15 =	vld [tilespmem:s9+$0x0]  }
0x16f: {  	s0 =	sor.u32 s30, s10;
	v6 =	vadd.f32 v6, v13;
	v43 =	vld [tilespmem:s8+$0x0];
	v7 =	vadd.f32 v7, v14  }
0x170: {  	v42 =	vld [tilespmem:s0+$0x0]  }
0x171: {  	s8 =	sor.u32 s1, s10;
	v6 =	vadd.f32 v9, v6;
	v7 =	vadd.f32 v11, v7  }
0x172: {  	v44 =	vld [tilespmem:s8+$0x0]  }
0x173: {  	v6 =	vadd.f32 v12, v6;
	v7 =	vadd.f32 v15, v7;
	_ =	sdelay $0x1  }
0x174: {  	v6 =	vadd.f32 v42, v6;
	v7 =	vadd.f32 v43, v7;
	_ =	sdelay $0x1  }
0x175: {  	v6 =	vadd.f32 $1.000000000e+00, v6;
	v7 =	vadd.f32 v44, v7;
	_ =	sdelay $0x1  }
0x176: {  	v45 =	vmul.f32 $5.000000000e-01, v6;
	v46 =	vshrl.u32 v6, $0x1;
	v7 =	vadd.f32 $1.000000000e+00, v7  }
0x177: {  	v11 =	vsub.s32 $0x5F3759DF, v46  }
0x178: {  	v47 =	vmul.f32 v11, v45;
	v48 =	vmul.f32 $5.000000000e-01, v7;
	v49 =	vshrl.u32 v7, $0x1  }
0x179: {  	v14 =	vsub.s32 $0x5F3759DF, v49  }
0x17a: {  	v12 =	vmul.f32 v11, v47;
	v50 =	vmul.f32 v14, v48;
	_ =	sdelay $0x1  }
0x17b: {  	v12 =	vsub.f32 $1.500000000e+00, v12;
	v15 =	vmul.f32 v14, v50;
	_ =	sdelay $0x1  }
0x17c: {  	v11 =	vmul.f32 v11, v12;
	v51 =	vsub.f32 $1.500000000e+00, v15;
	_ =	sdelay $0x1  }
0x17d: {  	v52 =	vmul.f32 v11, v45;
	v12 =	vmul.f32 v14, v51;
	_ =	sdelay $0x1  }
0x17e: {  	v53 =	vmul.f32 v52, v11;
	v54 =	vmul.f32 v12, v48;
	_ =	sdelay $0x1  }
0x17f: {  	v14 =	vsub.f32 $1.500000000e+00, v53;
	v15 =	vmul.f32 v54, v12;
	_ =	sdelay $0x1  }
0x180: {  	v11 =	vmul.f32 v14, v11;
	v55 =	vsub.f32 $1.500000000e+00, v15  }
0x181: {  	v10 =	vmul.f32 v10, v5;
	(erf) = vrcp.f32 v6  }
0x182: {  	v56 =	vmul.f32 v11, v45;
	v57 =	vmul.f32 v55, v12  }
0x183: {  	v8 =	vsub.f32 $1.500000000e+00, v8;
	(erf) = vrcp.f32 v7  }
0x184: {  	s9 =	sand.u32 $0x380, s21;
	v58 =	vsub.f32 $1.500000000e+00, v10;
	v6 =	vmul.f32 v56, v11;
	v59 =	vmul.f32 v57, v48  }
0x185: {  	s0 =	sor.u32 s9, s23;
	v4 =	vmul.f32 v8, v4  }
0x186: {  	[tilespmem:s0+$0x11780] =	vst v2;
	v60 =	vmul.f32 v58, v5;
	v61 =	vsub.f32 $1.500000000e+00, v6;
	v62 =	vmul.f32 v59, v57  }
0x187: {  	s10 =	sadd.s32 $0x20, s4;
	[tilespmem:s0+$0x11500] =	vst v4  }
0x188: {  	s11 =	sadd.s32 $0x20, s5;
	s21 =	sand.u32 $0x380, s6;
	[tilespmem:s10+$0x0] =	vst v60;
	v2 =	vmul.f32 v61, v11;
	v63 =	vsub.f32 $1.500000000e+00, v62  }
0x189: {  	s4 =	sor.u32 s21, s30;
	[tilespmem:s11+$0x0] =	vst v3  }
0x18a: {  	v3 =	vpop (erf);
	[tilespmem:s4+$0x11500] =	vst v2;
	v2 =	vmul.f32 v63, v57  }
0x18b: {  	s0 =	sadd.s32 $0x20, s10;
	[tilespmem:s4+$0x11780] =	vst v3  }
0x18c: {  	s23 =	sadd.s32 $0x20, s11;
	v3 =	vpop (erf);
	[tilespmem:s0+$0x0] =	vst v2  }
0x18d: {  	[tilespmem:s23+$0x0] =	vst v3  }
0x18e: {  	s30 =	simm.s32 $0x11500;
	s0 =	rddreg [dreg:$0xc]  }
0x18f: {  	[spmem:s0] =	stream.linear.scatter [tilespmem:s30], [sflag:$0x5], $0x280, $0x38;
	[tilespmem:$0x14480] =	vst v63  }
0x190: {  	_ =	swait.ge [sflag:s29], $0x280  }
0x191: {  	[sflag:s29] =	ssyncset.done $0x0  }
0x192: {  	s1 =	simm.s32 @!p2 $0x11500;
	s0 =	simm.s32 @!p2 $0x0;
	[sflag:s29] =	ssyncadd.s32 $0xFFFFFD80  }
0x193: {  	[hbm4b:s12+s0] =	stream.linear.scatter @!p2 [tilespmem:s1], [sflag:$0x5], $0x280, $0x38;
	[tilespmem:$0x14480] =	vst v63  }
0x194: {  	s1 =	simm.s32 @!p2 $0x5  }
0x195: {  	_ =	swait.ge @!p2 [sflag:s1], $0x280  }
0x196: {  	[sflag:s1] =	ssyncset.done @!p2 $0x0  }
0x197: {  	s4 =	simm.s32 @!p2 $0x11780;
	[sflag:s1] =	ssyncadd.s32 @!p2 $0xFFFFFD80  }
0x198: {  	[hbm4b:s13+s0] =	stream.linear.scatter @!p2 [tilespmem:s4], [sflag:$0x5], $0x280, $0x38;
	[tilespmem:$0x14480] =	vst v63  }
0x199: {  	_ =	swait.ge @!p2 [sflag:s1], $0x280  }
0x19a: {  	[sflag:s1] =	ssyncset.done @!p2 $0x0  }
0x19b: {  	[sflag:s1] =	ssyncadd.s32 @!p2 $0xFFFFFD80  }
0x19c: {  	[bflag:$0x0] =	sbarrier.arrive $0xFFFF  }
0x19d: {  	s0 =	simm.s32 $0x9D40;
	s31 =	rddreg [dreg:$0x3]  }
0x19e: {  	[tilespmem:s2], [sflag:$0x1] =	stream.linear.gather [spmem:s31], $0x2800, $0x38;
	[tilespmem:$0x14480] =	vst v63  }
0x19f: {  	[tilespmem:s0+$0xFFFFFFC0] =	vst v0  }
0x1a0: {  	[tilespmem:s0+$0x30] =	vst v0  }
0x1a1: {  	[tilespmem:s0+$0x20] =	vst v0  }
0x1a2: {  	[tilespmem:s0+$0x10] =	vst v0  }
0x1a3: {  	[tilespmem:s0+$0x0] =	vst v0  }
0x1a4: {  	[tilespmem:s0+$0xFFFFFFF0] =	vst v0  }
0x1a5: {  	s1 =	simm.s32 $0x0;
	[tilespmem:s0+$0xFFFFFFE0] =	vst v0  }
.LBB2_18:
0x1a6: {  	s1 =	sadd.s32 $0x80, s1;
	[tilespmem:s0+$0xFFFFFFD0] =	vst v0;
	s0 =	sadd.s32 $0x80, s0  }
0x1a7: {  	[tilespmem:s0+$0xFFFFFFC0] =	vst v0;
	p3 =	slt.u32 s1, $0x2780  }
0x1a8: {  	[tilespmem:s0+$0x30] =	vst v0  }
.Ltmp10:
0x1a9: {  	[tilespmem:s0+$0x20] =	vst v0;
	(pc) =	sbr.rel @p3 .LBB2_18-.Ltmp10, $4  }
0x1aa: {  	[tilespmem:s0+$0x10] =	vst v0  }
0x1ab: {  	[tilespmem:s0+$0x0] =	vst v0  }
0x1ac: {  	[tilespmem:s0+$0xFFFFFFF0] =	vst v0  }
0x1ad: {  	[tilespmem:s0+$0xFFFFFFE0] =	vst v0  }
0x1ae: {  	[tilespmem:s0+$0xFFFFFFD0] =	vst v0  }
0x1af: {  	_ =	swait.ge [sflag:s19], $0x2800  }
0x1b0: {  	[sflag:s19] =	ssyncset.done $0x0  }
0x1b1: {  	[sflag:s19] =	ssyncadd.s32 $0xFFFFD800  }
0x1b2: {  	v14 =	vld [tilespmem:s16+$0x0]  }
0x1b3: {  	v2 =	vld [tilespmem:s17+$0x70]  }
0x1b4: {  	v3 =	vld [tilespmem:s17+$0x10]  }
0x1b5: {  	v4 =	vld [tilespmem:s17+$0x20]  }
0x1b6: {  	v5 =	vld [tilespmem:s17+$0x30]  }
0x1b7: {  	v6 =	vld [tilespmem:s17+$0x40]  }
0x1b8: {  	v7 =	vld [tilespmem:s17+$0x50]  }
0x1b9: {  	v8 =	vld [tilespmem:s17+$0xFFFFFFF0]  }
0x1ba: {  	v9 =	vld [tilespmem:s17+$0x60]  }
0x1bb: {  	v11 =	vld [tilespmem:s17+$0x0]  }
0x1bc: {  	v10 =	vld.idx.msk [tilespmem:v2+s2+$0x0], $0xffff  }
0x1bd: {  	v2 =	vld.idx.msk [tilespmem:v3+s2+$0x0], $0xffff  }
0x1be: {  	v3 =	vld.idx.msk [tilespmem:v4+s2+$0x0], $0xffff  }
0x1bf: {  	v4 =	vld.idx.msk [tilespmem:v5+s2+$0x0], $0xffff  }
0x1c0: {  	v15 =	vld.idx.msk [tilespmem:v6+s2+$0x0], $0xffff  }
0x1c1: {  	v5 =	vld.idx.msk [tilespmem:v7+s2+$0x0], $0xffff  }
0x1c2: {  	v6 =	vld.idx.msk [tilespmem:v9+s2+$0x0], $0xffff  }
0x1c3: {  	v7 =	vld.idx.msk [tilespmem:v11+s2+$0x0], $0xffff  }
0x1c4: {  	[tilespmem:v8+s20+$0x0] =	vst.idx.add.f32.msk $0xffff, v10  }
0x1c5: {  	v8 =	vld [tilespmem:s17+$0xFFFFFF80]  }
0x1c6: {  	v9 =	vld [tilespmem:s17+$0xFFFFFF90]  }
0x1c7: {  	v10 =	vld [tilespmem:s17+$0xFFFFFFA0]  }
0x1c8: {  	v11 =	vld [tilespmem:s17+$0xFFFFFFB0]  }
0x1c9: {  	v12 =	vld [tilespmem:s17+$0xFFFFFFD0]  }
0x1ca: {  	v13 =	vld [tilespmem:s17+$0xFFFFFFE0]  }
0x1cb: {  	s0 =	simm.s32 $0x0;
	s1 =	sadd.s32 $0x100, s16;
	s4 =	smov.u32 s17;
	[tilespmem:v14+s20+$0x0] =	vst.idx.add.f32.msk $0xffff, v15  }
.LBB2_20:
0x1cc: {  	v14 =	vld [tilespmem:s1+$0x0]  }
0x1cd: {  	[tilespmem:v8+s20+$0x0] =	vst.idx.add.f32.msk $0xffff, v7  }
0x1ce: {  	[tilespmem:v9+s20+$0x0] =	vst.idx.add.f32.msk $0xffff, v2  }
0x1cf: {  	[tilespmem:v10+s20+$0x0] =	vst.idx.add.f32.msk $0xffff, v3  }
0x1d0: {  	[tilespmem:v11+s20+$0x0] =	vst.idx.add.f32.msk $0xffff, v4  }
0x1d1: {  	[tilespmem:v12+s20+$0x0] =	vst.idx.add.f32.msk $0xffff, v5  }
0x1d2: {  	s4 =	sadd.s32 $0x100, s4;
	[tilespmem:v13+s20+$0x0] =	vst.idx.add.f32.msk $0xffff, v6  }
0x1d3: {  	s0 =	sadd.s32 $0x80, s0;
	v2 =	vld [tilespmem:s4+$0x70]  }
0x1d4: {  	p3 =	slt.u32 s0, $0x2680;
	v3 =	vld [tilespmem:s4+$0x10]  }
0x1d5: {  	v4 =	vld [tilespmem:s4+$0x20]  }
0x1d6: {  	v5 =	vld [tilespmem:s4+$0x30]  }
0x1d7: {  	v6 =	vld [tilespmem:s4+$0x40]  }
0x1d8: {  	v7 =	vld [tilespmem:s4+$0x50]  }
0x1d9: {  	v8 =	vld [tilespmem:s4+$0xFFFFFFF0]  }
0x1da: {  	v9 =	vld [tilespmem:s4+$0x60]  }
0x1db: {  	v10 =	vld.idx.msk [tilespmem:v2+s2+$0x0], $0xffff  }
0x1dc: {  	v11 =	vld [tilespmem:s4+$0x0]  }
0x1dd: {  	v2 =	vld.idx.msk [tilespmem:v3+s2+$0x0], $0xffff  }
0x1de: {  	v3 =	vld.idx.msk [tilespmem:v4+s2+$0x0], $0xffff  }
0x1df: {  	v4 =	vld.idx.msk [tilespmem:v5+s2+$0x0], $0xffff  }
0x1e0: {  	v15 =	vld.idx.msk [tilespmem:v6+s2+$0x0], $0xffff  }
0x1e1: {  	[tilespmem:v8+s20+$0x0] =	vst.idx.add.f32.msk $0xffff, v10  }
0x1e2: {  	v5 =	vld.idx.msk [tilespmem:v7+s2+$0x0], $0xffff  }
0x1e3: {  	v6 =	vld.idx.msk [tilespmem:v9+s2+$0x0], $0xffff  }
0x1e4: {  	v7 =	vld.idx.msk [tilespmem:v11+s2+$0x0], $0xffff  }
0x1e5: {  	v8 =	vld [tilespmem:s4+$0xFFFFFF80]  }
0x1e6: {  	v9 =	vld [tilespmem:s4+$0xFFFFFF90]  }
.Ltmp11:
0x1e7: {  	v10 =	vld [tilespmem:s4+$0xFFFFFFA0];
	(pc) =	sbr.rel @p3 .LBB2_20-.Ltmp11, $4  }
0x1e8: {  	v11 =	vld [tilespmem:s4+$0xFFFFFFB0]  }
0x1e9: {  	v12 =	vld [tilespmem:s4+$0xFFFFFFD0]  }
0x1ea: {  	v13 =	vld [tilespmem:s4+$0xFFFFFFE0]  }
0x1eb: {  	s1 =	sadd.s32 $0x100, s1;
	[tilespmem:v14+s20+$0x0] =	vst.idx.add.f32.msk $0xffff, v15  }
0x1ec: {  	_ =	sdelay $0x3  }
0x1ed: {  	[tilespmem:v8+s20+$0x0] =	vst.idx.add.f32.msk $0xffff, v7  }
.Ltmp12:
0x1ee: {  	[tilespmem:v9+s20+$0x0] =	vst.idx.add.f32.msk $0xffff, v2;
	(pc) =	sbr.rel @!p0 .LBB2_25-.Ltmp12, $4  }
0x1ef: {  	[tilespmem:v10+s20+$0x0] =	vst.idx.add.f32.msk $0xffff, v3  }
0x1f0: {  	[tilespmem:v11+s20+$0x0] =	vst.idx.add.f32.msk $0xffff, v4  }
0x1f1: {  	[tilespmem:v12+s20+$0x0] =	vst.idx.add.f32.msk $0xffff, v5  }
0x1f2: {  	[tilespmem:v13+s20+$0x0] =	vst.idx.add.f32.msk $0xffff, v6  }
0x1f3: {  	s0 =	simm.s32 $0x9C00  }
0x1f4: {  	v3 =	vld [tilespmem:s0+$0x80];
	_ =	sdelay $0x5  }
0x1f5: {  	v2 =	vld [tilespmem:s0+$0x0];
	_ =	sdelay $0x1  }
0x1f6: {  	s1 =	simm.s32 $0x9C10;
	s0 =	simm.s32 $0x0;
	v3 =	vld.idx.msk [tilespmem:v3+s2+$0x0], $0xffff  }
.LBB2_23:
0x1f7: {  	v4 =	vld [tilespmem:s1+$0x80];
	s0 =	sadd.s32 $0x10, s0  }
0x1f8: {  	p3 =	slt.u32 s0, $0x70;
	_ =	sdelay $0x2  }
.Ltmp13:
0x1f9: {  	(pc) =	sbr.rel @p3 .LBB2_23-.Ltmp13, $3  }
0x1fa: {  	[tilespmem:v2+s20+$0x0] =	vst.idx.add.f32.msk $0xffff, v3  }
0x1fb: {  	v2 =	vld [tilespmem:s1+$0x0];
	_ =	sdelay $0x1  }
0x1fc: {  	s1 =	sadd.s32 $0x10, s1;
	v3 =	vld.idx.msk [tilespmem:v4+s2+$0x0], $0xffff  }
.Ltmp14:
0x1fd: {  	_ = 	snop;
	(pc) =	sbr.rel .LBB2_24-.Ltmp14, $1  }
0x1fe: {  	_ =	sdelay $0x3  }
.LBB2_26:
0x1ff: {  	_ =	sfence.sel $0x180000  }
0x200: {  	[bflag:$0x0] =	sbarrier.arrive $0xFFFF  }
0x201: {  	_ =	strace $0x90000047  }
0x202: {  	s0 =	stileid.u32;
	[bflag:$0x2] =	sbarrier.arrive $0xFFFF  }
0x203: {  	p0 =	sne.s32 s0, $0x0;
	s0 =	rddreg [dreg:$0x4]  }
0x204: {  	s0 =	sadd.s32 @!p0 $0x100000, s0  }
0x205: {  	[sflag:s0] =	ssyncadd.tile.s32 @!p0 $0x1;
	_ =	shalt  }
.Lfunc_end2:
_tile_overlayer_lowered:
.L_overlay_start_2:
0x206: {  	(tag) =	ssettag $0x2  }
0x207: {  	s0 =	rddreg [dreg:$0x0];
	s2 =	stileid.u32  }
0x208: {  	s1 =	rddreg [dreg:$0x1];
	p0 =	sne.s32 s2, $0x0  }
0x209: {  	s3 =	rddreg [dreg:$0x2];
	[bflag:$0x3] =	sbarrier.arrive $0xFFFF;
	s2 =	simm.s32 @!p0 $0x1C05  }
0x20a: {  	[timem:s3], [sflag:s2] =	dma.local @!p0 [hbm:s0], s1  }
0x20b: {  	s0 =	simm.s32 @!p0 $0x5  }
0x20c: {  	_ =	swait.ge @!p0 [sflag:s0], s1  }
0x20d: {  	s1 =	ssub.s32 @!p0 $0x0, s1;
	[sflag:s0] =	ssyncset.done @!p0 $0x0  }
0x20e: {  	[sflag:s0] =	ssyncadd.s32 @!p0 s1  }
0x20f: {  	[bflag:$0x3] =	sbarrier.arrive $0xFFFF  }
0x210: {  	_ =	shalt  }

</sc_bundles>
